<compile_context>
chip_gen: v7x
topology: tpu7x:2x2x1
jax: 0.10.2.dev20260603
libtpu: 0.0.44.dev20260713+nightly
codegen_flags: <defaults>
</compile_context>

<pallas_src>
import functools
import math

import jax
import jax.numpy as jnp
from jax import lax
from jax.experimental import pallas as pl
from jax.experimental.pallas import tpu as pltpu
from jax.experimental.pallas import tpu_sc as plsc

D_MODEL = 1024
SCALE = float(math.sqrt(D_MODEL))
LANES = 16
CHUNK = 16
NBUF = 7
GLA = 3


def _sc_embed(x_flat, table):
    B = x_flat.shape[0]
    D = table.shape[1]
    info = plsc.get_sparse_core_info()
    nw = info.num_cores * info.num_subcores
    assert B % nw == 0
    b_per_w = B // nw
    assert b_per_w % CHUNK == 0
    n_ch = b_per_w // CHUNK
    vecs_per_row = D // LANES

    mesh = plsc.VectorSubcoreMesh(core_axis_name="c", subcore_axis_name="s")

    @functools.partial(
        pl.kernel,
        mesh=mesh,
        out_type=jax.ShapeDtypeStruct((B, D), jnp.float32),
        scratch_types=[
            pltpu.VMEM((b_per_w,), jnp.int32),
            pltpu.VMEM((NBUF * CHUNK, D), jnp.float32),
            pltpu.SemaphoreType.DMA,
            pltpu.SemaphoreType.DMA,
        ],
    )
    def k(idx_hbm, table_hbm, out_hbm, idx_v, buf_v, gsem, ssem):
        wid = lax.axis_index("s") * info.num_cores + lax.axis_index("c")
        base = wid * b_per_w
        pltpu.sync_copy(idx_hbm.at[pl.ds(base, b_per_w)], idx_v)

        def gather_start(c):
            p = lax.rem(c, NBUF)
            pltpu.make_async_copy(
                table_hbm.at[idx_v.at[pl.ds(c * CHUNK, CHUNK)]],
                buf_v.at[pl.ds(p * CHUNK, CHUNK)],
                gsem,
            ).start()

        def gather_wait(c):
            p = lax.rem(c, NBUF)
            pltpu.make_async_copy(
                table_hbm.at[idx_v.at[pl.ds(c * CHUNK, CHUNK)]],
                buf_v.at[pl.ds(p * CHUNK, CHUNK)],
                gsem,
            ).wait()

        def scatter_start(c):
            p = lax.rem(c, NBUF)
            pltpu.make_async_copy(
                buf_v.at[pl.ds(p * CHUNK, CHUNK)],
                out_hbm.at[pl.ds(base + c * CHUNK, CHUNK)],
                ssem,
            ).start()

        def scatter_wait(c):
            p = lax.rem(c, NBUF)
            pltpu.make_async_copy(
                buf_v.at[pl.ds(p * CHUNK, CHUNK)],
                out_hbm.at[pl.ds(base + c * CHUNK, CHUNK)],
                ssem,
            ).wait()

        for c0 in range(GLA):
            gather_start(c0)

        def step(c, carry):
            gather_wait(c)
            p = lax.rem(c, NBUF)

            def mul_row(r, carry2):
                row = p * CHUNK + r
                for j in range(vecs_per_row):
                    sl = pl.ds(j * LANES, LANES)
                    buf_v[row, sl] = buf_v[row, sl] * SCALE
                return carry2

            lax.fori_loop(0, CHUNK, mul_row, 0, unroll=False)
            scatter_start(c)

            @pl.when(c >= NBUF - GLA)
            def _():
                scatter_wait(c - (NBUF - GLA))

            @pl.when(c + GLA < n_ch)
            def _():
                gather_start(c + GLA)

            return carry

        lax.fori_loop(0, n_ch, step, 0, unroll=False)
        for ct in range(NBUF - GLA):
            scatter_wait(n_ch - (NBUF - GLA) + ct)

    return k(x_flat, table)


@jax.jit
def kernel(x, table):
    orig_shape = x.shape
    x_flat = x.reshape(-1).astype(jnp.int32)
    out = _sc_embed(x_flat, table)
    return out.reshape(orig_shape + (table.shape[1],))

# --- scband reference (transcript-rebuilt; emitter-appended) ---
"""Pipeline reference for scband-input-embedding-47777216201391 (READ-ONLY COPY).

The authoritative reference and input builder live on the scoring server;
editing this copy changes nothing except your own understanding.
"""

import jax, jax.numpy as jnp
import numpy as np
import math

VOCAB_SIZE = 100000
D_MODEL = 1024

def setup_inputs(seed: int = 0) -> dict:
    key = jax.random.key(seed)
    k_idx, k_tab = jax.random.split(key)
    x = jax.random.randint(k_idx, (4, 8192), 0, VOCAB_SIZE, dtype=jnp.int64 if jax.config.jax_enable_x64 else jnp.int32)
    table = jax.random.normal(k_tab, (VOCAB_SIZE, D_MODEL), dtype=jnp.float32)
    return {"x": x, "table": table}

def reference(x, table):
    # nn.Embedding lookup followed by sqrt(d_model) scaling
    emb = jnp.take(table, x, axis=0)
    return emb * math.sqrt(D_MODEL)

if __name__ == "__main__":
    import jax
    _d = setup_inputs()
    print(jax.jit(kernel)(*tuple(_d.values())))

</pallas_src>

<mosaic_0001>
#map = affine_map<(d0, d1) -> (0)>
#map1 = affine_map<(d0, d1) -> (0, 0)>
module attributes {stable_mosaic.version = 14 : i64} {
  func.func @k(%arg0: i32, %arg1: i32, %arg2: memref<32768xi32, #tpu.memory_space<hbm>>, %arg3: memref<100000x1024xf32, #tpu.memory_space<hbm>>, %arg4: memref<32768x1024xf32, #tpu.memory_space<hbm>>, %arg5: memref<1024xi32, #tpu.memory_space<vmem>>, %arg6: memref<112x1024xf32, #tpu.memory_space<vmem>>, %arg7: memref<!tpu.dma_semaphore, #tpu.memory_space<semaphore_mem>>, %arg8: memref<!tpu.dma_semaphore, #tpu.memory_space<semaphore_mem>>) attributes {dimension_semantics = [#tpu.dimension_semantics<core_parallel>, #tpu.dimension_semantics<subcore_parallel>], iteration_bounds = array<i64: 2, 16>, scalar_prefetch = 0 : i64, scratch_operands = 4 : i64, tpu.core_type = #tpu.core_type<sc_vector_subcore>, window_params = [{transform_indices = #map}, {transform_indices = #map1}, {transform_indices = #map1}]} {
    %mul3A = arith.constant 2 : i32
    %mul3A_0 = arith.muli %arg1, %mul3A : i32
    %add3A = arith.addi %mul3A_0, %arg0 : i32
    %mul3A_1 = arith.constant 1024 : i32
    %mul3A_2 = arith.muli %add3A, %mul3A_1 : i32
    "tpu.region"() ({
      %run_scoped3A = tpu.sem_alloc : memref<!tpu.dma_semaphore, #tpu.memory_space<semaphore_mem>>
      %dma_start3A_101 = tpu.memref_slice %arg2[%mul3A_2] : memref<32768xi32, #tpu.memory_space<hbm>> -> memref<1024xi32, #tpu.memory_space<hbm>>
      %dma_start3A_102 = tpu.memref_slice %arg2[%mul3A_2] : memref<32768xi32, #tpu.memory_space<hbm>> -> memref<1024xi32, #tpu.memory_space<hbm>>
      tpu.enqueue_dma source(%dma_start3A_102 : memref<1024xi32, #tpu.memory_space<hbm>>) target(%arg5 : memref<1024xi32, #tpu.memory_space<vmem>>) target_semaphore(%run_scoped3A : memref<!tpu.dma_semaphore, #tpu.memory_space<semaphore_mem>>)
      %dma_wait3A_103 = tpu.memref_slice %arg2[%mul3A_2] : memref<32768xi32, #tpu.memory_space<hbm>> -> memref<1024xi32, #tpu.memory_space<hbm>>
      %dma_wait3A_104 = tpu.memref_slice %arg2[%mul3A_2] : memref<32768xi32, #tpu.memory_space<hbm>> -> memref<1024xi32, #tpu.memory_space<hbm>>
      tpu.wait_dma2 semaphore(%run_scoped3A : memref<!tpu.dma_semaphore, #tpu.memory_space<semaphore_mem>>) src(%dma_wait3A_104 : memref<1024xi32, #tpu.memory_space<hbm>>) dst(%arg5 : memref<1024xi32, #tpu.memory_space<vmem>>)
      tpu.yield
    }) : () -> ()
    %rem3A = arith.constant 0 : i32
    %rem3A_3 = arith.constant 7 : i32
    %rem3A_4 = arith.remsi %rem3A, %rem3A_3 : i32
    %mul3A_5 = arith.constant 16 : i32
    %mul3A_6 = arith.muli %rem3A_4, %mul3A_5 : i32
    %dma_start3A = arith.constant 0 : i32
    %dma_start3A_7 = tpu.memref_slice %arg6[%mul3A_6, %dma_start3A] : memref<112x1024xf32, #tpu.memory_space<vmem>> -> memref<16x1024xf32, #tpu.memory_space<vmem>>
    %dma_start3A_8 = arith.constant 0 : i32
    %dma_start3A_9 = tpu.memref_slice %arg5[%dma_start3A_8] : memref<1024xi32, #tpu.memory_space<vmem>> -> memref<16xi32, #tpu.memory_space<vmem>>
    %dma_start3A_10 = arith.constant 0 : i32
    %dma_start3A_11 = arith.constant 0 : i32
    %dma_start3A_12 = tpu.memref_slice %arg3[%dma_start3A_10, %dma_start3A_11] : memref<100000x1024xf32, #tpu.memory_space<hbm>> -> memref<100000x1024xf32, #tpu.memory_space<hbm>>
    tpu.enqueue_indirect_dma source(%dma_start3A_12 : memref<100000x1024xf32, #tpu.memory_space<hbm>>) target(%dma_start3A_7 : memref<16x1024xf32, #tpu.memory_space<vmem>>) offsets(%dma_start3A_9 : memref<16xi32, #tpu.memory_space<vmem>>) semaphore(%arg7 : memref<!tpu.dma_semaphore, #tpu.memory_space<semaphore_mem>>)
    %rem3A_13 = arith.constant 1 : i32
    %rem3A_14 = arith.constant 7 : i32
    %rem3A_15 = arith.remsi %rem3A_13, %rem3A_14 : i32
    %mul3A_16 = arith.constant 16 : i32
    %mul3A_17 = arith.muli %rem3A_15, %mul3A_16 : i32
    %dma_start3A_18 = arith.constant 0 : i32
    %dma_start3A_19 = tpu.memref_slice %arg6[%mul3A_17, %dma_start3A_18] : memref<112x1024xf32, #tpu.memory_space<vmem>> -> memref<16x1024xf32, #tpu.memory_space<vmem>>
    %dma_start3A_20 = arith.constant 16 : i32
    %dma_start3A_21 = tpu.memref_slice %arg5[%dma_start3A_20] : memref<1024xi32, #tpu.memory_space<vmem>> -> memref<16xi32, #tpu.memory_space<vmem>>
    %dma_start3A_22 = arith.constant 0 : i32
    %dma_start3A_23 = arith.constant 0 : i32
    %dma_start3A_24 = tpu.memref_slice %arg3[%dma_start3A_22, %dma_start3A_23] : memref<100000x1024xf32, #tpu.memory_space<hbm>> -> memref<100000x1024xf32, #tpu.memory_space<hbm>>
    tpu.enqueue_indirect_dma source(%dma_start3A_24 : memref<100000x1024xf32, #tpu.memory_space<hbm>>) target(%dma_start3A_19 : memref<16x1024xf32, #tpu.memory_space<vmem>>) offsets(%dma_start3A_21 : memref<16xi32, #tpu.memory_space<vmem>>) semaphore(%arg7 : memref<!tpu.dma_semaphore, #tpu.memory_space<semaphore_mem>>)
    %rem3A_25 = arith.constant 2 : i32
    %rem3A_26 = arith.constant 7 : i32
    %rem3A_27 = arith.remsi %rem3A_25, %rem3A_26 : i32
    %mul3A_28 = arith.constant 16 : i32
    %mul3A_29 = arith.muli %rem3A_27, %mul3A_28 : i32
    %dma_start3A_30 = arith.constant 0 : i32
    %dma_start3A_31 = tpu.memref_slice %arg6[%mul3A_29, %dma_start3A_30] : memref<112x1024xf32, #tpu.memory_space<vmem>> -> memref<16x1024xf32, #tpu.memory_space<vmem>>
    %dma_start3A_32 = arith.constant 32 : i32
    %dma_start3A_33 = tpu.memref_slice %arg5[%dma_start3A_32] : memref<1024xi32, #tpu.memory_space<vmem>> -> memref<16xi32, #tpu.memory_space<vmem>>
    %dma_start3A_34 = arith.constant 0 : i32
    %dma_start3A_35 = arith.constant 0 : i32
    %dma_start3A_36 = tpu.memref_slice %arg3[%dma_start3A_34, %dma_start3A_35] : memref<100000x1024xf32, #tpu.memory_space<hbm>> -> memref<100000x1024xf32, #tpu.memory_space<hbm>>
    tpu.enqueue_indirect_dma source(%dma_start3A_36 : memref<100000x1024xf32, #tpu.memory_space<hbm>>) target(%dma_start3A_31 : memref<16x1024xf32, #tpu.memory_space<vmem>>) offsets(%dma_start3A_33 : memref<16xi32, #tpu.memory_space<vmem>>) semaphore(%arg7 : memref<!tpu.dma_semaphore, #tpu.memory_space<semaphore_mem>>)
    %scan3A = arith.constant 0 : i32
    %scan3A_37 = arith.constant 0 : i32
    %scan3A_38 = arith.constant 64 : i32
    %scan3A_39 = arith.addi %scan3A_37, %scan3A_38 : i32
    %scan3A_40 = arith.constant 1 : i32
    scf.for %scan3A_101 = %scan3A_37 to %scan3A_39 step %scan3A_40  : i32 {
      %rem3A_102 = arith.constant 7 : i32
      %rem3A_103 = arith.remsi %scan3A_101, %rem3A_102 : i32
      %mul3A_104 = arith.constant 16 : i32
      %mul3A_105 = arith.muli %scan3A_101, %mul3A_104 : i32
      %mul3A_106 = arith.constant 16 : i32
      %mul3A_107 = arith.muli %rem3A_103, %mul3A_106 : i32
      %dma_wait3A_108 = arith.constant 0 : i32
      %dma_wait3A_109 = tpu.memref_slice %arg6[%mul3A_107, %dma_wait3A_108] : memref<112x1024xf32, #tpu.memory_space<vmem>> -> memref<16x1024xf32, #tpu.memory_space<vmem>>
      %dma_wait3A_110 = tpu.memref_slice %arg5[%mul3A_105] : memref<1024xi32, #tpu.memory_space<vmem>> -> memref<16xi32, #tpu.memory_space<vmem>>
      %dma_wait3A_111 = arith.constant 0 : i32
      %dma_wait3A_112 = arith.constant 0 : i32
      %dma_wait3A_113 = tpu.memref_slice %arg3[%dma_wait3A_111, %dma_wait3A_112] : memref<100000x1024xf32, #tpu.memory_space<hbm>> -> memref<100000x1024xf32, #tpu.memory_space<hbm>>
      tpu.wait_indirect_dma semaphore(%arg7 : memref<!tpu.dma_semaphore, #tpu.memory_space<semaphore_mem>>) src(%dma_wait3A_113 : memref<100000x1024xf32, #tpu.memory_space<hbm>>) dst(%dma_wait3A_109 : memref<16x1024xf32, #tpu.memory_space<vmem>>)
      %rem3A_114 = arith.constant 7 : i32
      %rem3A_115 = arith.remsi %scan3A_101, %rem3A_114 : i32
      %scan3A_116 = arith.constant 0 : i32
      %scan3A_117 = arith.constant 0 : i32
      %scan3A_118 = arith.constant 16 : i32
      %scan3A_119 = arith.addi %scan3A_117, %scan3A_118 : i32
      %scan3A_120 = arith.constant 1 : i32
      scf.for %scan3A_145 = %scan3A_117 to %scan3A_119 step %scan3A_120  : i32 {
        %mul3A_146 = arith.constant 16 : i32
        %mul3A_147 = arith.muli %rem3A_115, %mul3A_146 : i32
        %add3A_148 = arith.addi %mul3A_147, %scan3A_145 : i32
        %get3A = arith.index_cast %add3A_148 : i32 to index
        %get3A_149 = arith.constant 0 : index
        %get3A_150 = tpu.vector_load %arg6[%get3A, %get3A_149] {strides = array<i32>} : memref<112x1024xf32, #tpu.memory_space<vmem>>, vector<1x16xf32>,
        %get3A_151 = vector.shape_cast %get3A_150 : vector<1x16xf32> to vector<16xf32>
        %mul3A_152 = arith.constant 3.200000e+01 : f32
        %mul3A_153 = vector.broadcast %mul3A_152 : f32 to vector<16xf32>
        %mul3A_154 = arith.mulf %get3A_151, %mul3A_153 : vector<16xf32>
        %swap3A = arith.index_cast %add3A_148 : i32 to index
        %swap3A_155 = arith.constant 0 : index
        %swap3A_156 = tpu.vector_load %arg6[%swap3A, %swap3A_155] {strides = array<i32>} : memref<112x1024xf32, #tpu.memory_space<vmem>>, vector<1x16xf32>,
        %swap3A_157 = vector.shape_cast %swap3A_156 : vector<1x16xf32> to vector<16xf32>
        %swap3A_158 = vector.shape_cast %mul3A_154 : vector<16xf32> to vector<1x16xf32>
        tpu.vector_store %arg6[%swap3A, %swap3A_155], %swap3A_158 {strides = array<i32>} : memref<112x1024xf32, #tpu.memory_space<vmem>>, vector<1x16xf32>,
        %get3A_159 = arith.index_cast %add3A_148 : i32 to index
        %get3A_160 = arith.constant 16 : index
        %get3A_161 = tpu.vector_load %arg6[%get3A_159, %get3A_160] {strides = array<i32>} : memref<112x1024xf32, #tpu.memory_space<vmem>>, vector<1x16xf32>,
        %get3A_162 = vector.shape_cast %get3A_161 : vector<1x16xf32> to vector<16xf32>
        %mul3A_163 = arith.constant 3.200000e+01 : f32
        %mul3A_164 = vector.broadcast %mul3A_163 : f32 to vector<16xf32>
        %mul3A_165 = arith.mulf %get3A_162, %mul3A_164 : vector<16xf32>
        %swap3A_166 = arith.index_cast %add3A_148 : i32 to index
        %swap3A_167 = arith.constant 16 : index
        %swap3A_168 = tpu.vector_load %arg6[%swap3A_166, %swap3A_167] {strides = array<i32>} : memref<112x1024xf32, #tpu.memory_space<vmem>>, vector<1x16xf32>,
        %swap3A_169 = vector.shape_cast %swap3A_168 : vector<1x16xf32> to vector<16xf32>
        %swap3A_170 = vector.shape_cast %mul3A_165 : vector<16xf32> to vector<1x16xf32>
        tpu.vector_store %arg6[%swap3A_166, %swap3A_167], %swap3A_170 {strides = array<i32>} : memref<112x1024xf32, #tpu.memory_space<vmem>>, vector<1x16xf32>,
        %get3A_171 = arith.index_cast %add3A_148 : i32 to index
        %get3A_172 = arith.constant 32 : index
        %get3A_173 = tpu.vector_load %arg6[%get3A_171, %get3A_172] {strides = array<i32>} : memref<112x1024xf32, #tpu.memory_space<vmem>>, vector<1x16xf32>,
        %get3A_174 = vector.shape_cast %get3A_173 : vector<1x16xf32> to vector<16xf32>
        %mul3A_175 = arith.constant 3.200000e+01 : f32
        %mul3A_176 = vector.broadcast %mul3A_175 : f32 to vector<16xf32>
        %mul3A_177 = arith.mulf %get3A_174, %mul3A_176 : vector<16xf32>
        %swap3A_178 = arith.index_cast %add3A_148 : i32 to index
        %swap3A_179 = arith.constant 32 : index
        %swap3A_180 = tpu.vector_load %arg6[%swap3A_178, %swap3A_179] {strides = array<i32>} : memref<112x1024xf32, #tpu.memory_space<vmem>>, vector<1x16xf32>,
        %swap3A_181 = vector.shape_cast %swap3A_180 : vector<1x16xf32> to vector<16xf32>
        %swap3A_182 = vector.shape_cast %mul3A_177 : vector<16xf32> to vector<1x16xf32>
        tpu.vector_store %arg6[%swap3A_178, %swap3A_179], %swap3A_182 {strides = array<i32>} : memref<112x1024xf32, #tpu.memory_space<vmem>>, vector<1x16xf32>,
        %get3A_183 = arith.index_cast %add3A_148 : i32 to index
        %get3A_184 = arith.constant 48 : index
        %get3A_185 = tpu.vector_load %arg6[%get3A_183, %get3A_184] {strides = array<i32>} : memref<112x1024xf32, #tpu.memory_space<vmem>>, vector<1x16xf32>,
        %get3A_186 = vector.shape_cast %get3A_185 : vector<1x16xf32> to vector<16xf32>
        %mul3A_187 = arith.constant 3.200000e+01 : f32
        %mul3A_188 = vector.broadcast %mul3A_187 : f32 to vector<16xf32>
        %mul3A_189 = arith.mulf %get3A_186, %mul3A_188 : vector<16xf32>
        %swap3A_190 = arith.index_cast %add3A_148 : i32 to index
        %swap3A_191 = arith.constant 48 : index
        %swap3A_192 = tpu.vector_load %arg6[%swap3A_190, %swap3A_191] {strides = array<i32>} : memref<112x1024xf32, #tpu.memory_space<vmem>>, vector<1x16xf32>,
        %swap3A_193 = vector.shape_cast %swap3A_192 : vector<1x16xf32> to vector<16xf32>
        %swap3A_194 = vector.shape_cast %mul3A_189 : vector<16xf32> to vector<1x16xf32>
        tpu.vector_store %arg6[%swap3A_190, %swap3A_191], %swap3A_194 {strides = array<i32>} : memref<112x1024xf32, #tpu.memory_space<vmem>>, vector<1x16xf32>,
        %get3A_195 = arith.index_cast %add3A_148 : i32 to index
        %get3A_196 = arith.constant 64 : index
        %get3A_197 = tpu.vector_load %arg6[%get3A_195, %get3A_196] {strides = array<i32>} : memref<112x1024xf32, #tpu.memory_space<vmem>>, vector<1x16xf32>,
        %get3A_198 = vector.shape_cast %get3A_197 : vector<1x16xf32> to vector<16xf32>
        %mul3A_199 = arith.constant 3.200000e+01 : f32
        %mul3A_200 = vector.broadcast %mul3A_199 : f32 to vector<16xf32>
        %mul3A_201 = arith.mulf %get3A_198, %mul3A_200 : vector<16xf32>
        %swap3A_202 = arith.index_cast %add3A_148 : i32 to index
        %swap3A_203 = arith.constant 64 : index
        %swap3A_204 = tpu.vector_load %arg6[%swap3A_202, %swap3A_203] {strides = array<i32>} : memref<112x1024xf32, #tpu.memory_space<vmem>>, vector<1x16xf32>,
        %swap3A_205 = vector.shape_cast %swap3A_204 : vector<1x16xf32> to vector<16xf32>
        %swap3A_206 = vector.shape_cast %mul3A_201 : vector<16xf32> to vector<1x16xf32>
        tpu.vector_store %arg6[%swap3A_202, %swap3A_203], %swap3A_206 {strides = array<i32>} : memref<112x1024xf32, #tpu.memory_space<vmem>>, vector<1x16xf32>,
        %get3A_207 = arith.index_cast %add3A_148 : i32 to index
        %get3A_208 = arith.constant 80 : index
        %get3A_209 = tpu.vector_load %arg6[%get3A_207, %get3A_208] {strides = array<i32>} : memref<112x1024xf32, #tpu.memory_space<vmem>>, vector<1x16xf32>,
        %get3A_210 = vector.shape_cast %get3A_209 : vector<1x16xf32> to vector<16xf32>
        %mul3A_211 = arith.constant 3.200000e+01 : f32
        %mul3A_212 = vector.broadcast %mul3A_211 : f32 to vector<16xf32>
        %mul3A_213 = arith.mulf %get3A_210, %mul3A_212 : vector<16xf32>
        %swap3A_214 = arith.index_cast %add3A_148 : i32 to index
        %swap3A_215 = arith.constant 80 : index
        %swap3A_216 = tpu.vector_load %arg6[%swap3A_214, %swap3A_215] {strides = array<i32>} : memref<112x1024xf32, #tpu.memory_space<vmem>>, vector<1x16xf32>,
        %swap3A_217 = vector.shape_cast %swap3A_216 : vector<1x16xf32> to vector<16xf32>
        %swap3A_218 = vector.shape_cast %mul3A_213 : vector<16xf32> to vector<1x16xf32>
        tpu.vector_store %arg6[%swap3A_214, %swap3A_215], %swap3A_218 {strides = array<i32>} : memref<112x1024xf32, #tpu.memory_space<vmem>>, vector<1x16xf32>,
        %get3A_219 = arith.index_cast %add3A_148 : i32 to index
        %get3A_220 = arith.constant 96 : index
        %get3A_221 = tpu.vector_load %arg6[%get3A_219, %get3A_220] {strides = array<i32>} : memref<112x1024xf32, #tpu.memory_space<vmem>>, vector<1x16xf32>,
        %get3A_222 = vector.shape_cast %get3A_221 : vector<1x16xf32> to vector<16xf32>
        %mul3A_223 = arith.constant 3.200000e+01 : f32
        %mul3A_224 = vector.broadcast %mul3A_223 : f32 to vector<16xf32>
        %mul3A_225 = arith.mulf %get3A_222, %mul3A_224 : vector<16xf32>
        %swap3A_226 = arith.index_cast %add3A_148 : i32 to index
        %swap3A_227 = arith.constant 96 : index
        %swap3A_228 = tpu.vector_load %arg6[%swap3A_226, %swap3A_227] {strides = array<i32>} : memref<112x1024xf32, #tpu.memory_space<vmem>>, vector<1x16xf32>,
        %swap3A_229 = vector.shape_cast %swap3A_228 : vector<1x16xf32> to vector<16xf32>
        %swap3A_230 = vector.shape_cast %mul3A_225 : vector<16xf32> to vector<1x16xf32>
        tpu.vector_store %arg6[%swap3A_226, %swap3A_227], %swap3A_230 {strides = array<i32>} : memref<112x1024xf32, #tpu.memory_space<vmem>>, vector<1x16xf32>,
        %get3A_231 = arith.index_cast %add3A_148 : i32 to index
        %get3A_232 = arith.constant 112 : index
        %get3A_233 = tpu.vector_load %arg6[%get3A_231, %get3A_232] {strides = array<i32>} : memref<112x1024xf32, #tpu.memory_space<vmem>>, vector<1x16xf32>,
        %get3A_234 = vector.shape_cast %get3A_233 : vector<1x16xf32> to vector<16xf32>
        %mul3A_235 = arith.constant 3.200000e+01 : f32
        %mul3A_236 = vector.broadcast %mul3A_235 : f32 to vector<16xf32>
        %mul3A_237 = arith.mulf %get3A_234, %mul3A_236 : vector<16xf32>
        %swap3A_238 = arith.index_cast %add3A_148 : i32 to index
        %swap3A_239 = arith.constant 112 : index
        %swap3A_240 = tpu.vector_load %arg6[%swap3A_238, %swap3A_239] {strides = array<i32>} : memref<112x1024xf32, #tpu.memory_space<vmem>>, vector<1x16xf32>,
        %swap3A_241 = vector.shape_cast %swap3A_240 : vector<1x16xf32> to vector<16xf32>
        %swap3A_242 = vector.shape_cast %mul3A_237 : vector<16xf32> to vector<1x16xf32>
        tpu.vector_store %arg6[%swap3A_238, %swap3A_239], %swap3A_242 {strides = array<i32>} : memref<112x1024xf32, #tpu.memory_space<vmem>>, vector<1x16xf32>,
        %get3A_243 = arith.index_cast %add3A_148 : i32 to index
        %get3A_244 = arith.constant 128 : index
        %get3A_245 = tpu.vector_load %arg6[%get3A_243, %get3A_244] {strides = array<i32>} : memref<112x1024xf32, #tpu.memory_space<vmem>>, vector<1x16xf32>,
        %get3A_246 = vector.shape_cast %get3A_245 : vector<1x16xf32> to vector<16xf32>
        %mul3A_247 = arith.constant 3.200000e+01 : f32
        %mul3A_248 = vector.broadcast %mul3A_247 : f32 to vector<16xf32>
        %mul3A_249 = arith.mulf %get3A_246, %mul3A_248 : vector<16xf32>
        %swap3A_250 = arith.index_cast %add3A_148 : i32 to index
        %swap3A_251 = arith.constant 128 : index
        %swap3A_252 = tpu.vector_load %arg6[%swap3A_250, %swap3A_251] {strides = array<i32>} : memref<112x1024xf32, #tpu.memory_space<vmem>>, vector<1x16xf32>,
        %swap3A_253 = vector.shape_cast %swap3A_252 : vector<1x16xf32> to vector<16xf32>
        %swap3A_254 = vector.shape_cast %mul3A_249 : vector<16xf32> to vector<1x16xf32>
        tpu.vector_store %arg6[%swap3A_250, %swap3A_251], %swap3A_254 {strides = array<i32>} : memref<112x1024xf32, #tpu.memory_space<vmem>>, vector<1x16xf32>,
        %get3A_255 = arith.index_cast %add3A_148 : i32 to index
        %get3A_256 = arith.constant 144 : index
        %get3A_257 = tpu.vector_load %arg6[%get3A_255, %get3A_256] {strides = array<i32>} : memref<112x1024xf32, #tpu.memory_space<vmem>>, vector<1x16xf32>,
        %get3A_258 = vector.shape_cast %get3A_257 : vector<1x16xf32> to vector<16xf32>
        %mul3A_259 = arith.constant 3.200000e+01 : f32
        %mul3A_260 = vector.broadcast %mul3A_259 : f32 to vector<16xf32>
        %mul3A_261 = arith.mulf %get3A_258, %mul3A_260 : vector<16xf32>
        %swap3A_262 = arith.index_cast %add3A_148 : i32 to index
        %swap3A_263 = arith.constant 144 : index
        %swap3A_264 = tpu.vector_load %arg6[%swap3A_262, %swap3A_263] {strides = array<i32>} : memref<112x1024xf32, #tpu.memory_space<vmem>>, vector<1x16xf32>,
        %swap3A_265 = vector.shape_cast %swap3A_264 : vector<1x16xf32> to vector<16xf32>
        %swap3A_266 = vector.shape_cast %mul3A_261 : vector<16xf32> to vector<1x16xf32>
        tpu.vector_store %arg6[%swap3A_262, %swap3A_263], %swap3A_266 {strides = array<i32>} : memref<112x1024xf32, #tpu.memory_space<vmem>>, vector<1x16xf32>,
        %get3A_267 = arith.index_cast %add3A_148 : i32 to index
        %get3A_268 = arith.constant 160 : index
        %get3A_269 = tpu.vector_load %arg6[%get3A_267, %get3A_268] {strides = array<i32>} : memref<112x1024xf32, #tpu.memory_space<vmem>>, vector<1x16xf32>,
        %get3A_270 = vector.shape_cast %get3A_269 : vector<1x16xf32> to vector<16xf32>
        %mul3A_271 = arith.constant 3.200000e+01 : f32
        %mul3A_272 = vector.broadcast %mul3A_271 : f32 to vector<16xf32>
        %mul3A_273 = arith.mulf %get3A_270, %mul3A_272 : vector<16xf32>
        %swap3A_274 = arith.index_cast %add3A_148 : i32 to index
        %swap3A_275 = arith.constant 160 : index
        %swap3A_276 = tpu.vector_load %arg6[%swap3A_274, %swap3A_275] {strides = array<i32>} : memref<112x1024xf32, #tpu.memory_space<vmem>>, vector<1x16xf32>,
        %swap3A_277 = vector.shape_cast %swap3A_276 : vector<1x16xf32> to vector<16xf32>
        %swap3A_278 = vector.shape_cast %mul3A_273 : vector<16xf32> to vector<1x16xf32>
        tpu.vector_store %arg6[%swap3A_274, %swap3A_275], %swap3A_278 {strides = array<i32>} : memref<112x1024xf32, #tpu.memory_space<vmem>>, vector<1x16xf32>,
        %get3A_279 = arith.index_cast %add3A_148 : i32 to index
        %get3A_280 = arith.constant 176 : index
        %get3A_281 = tpu.vector_load %arg6[%get3A_279, %get3A_280] {strides = array<i32>} : memref<112x1024xf32, #tpu.memory_space<vmem>>, vector<1x16xf32>,
        %get3A_282 = vector.shape_cast %get3A_281 : vector<1x16xf32> to vector<16xf32>
        %mul3A_283 = arith.constant 3.200000e+01 : f32
        %mul3A_284 = vector.broadcast %mul3A_283 : f32 to vector<16xf32>
        %mul3A_285 = arith.mulf %get3A_282, %mul3A_284 : vector<16xf32>
        %swap3A_286 = arith.index_cast %add3A_148 : i32 to index
        %swap3A_287 = arith.constant 176 : index
        %swap3A_288 = tpu.vector_load %arg6[%swap3A_286, %swap3A_287] {strides = array<i32>} : memref<112x1024xf32, #tpu.memory_space<vmem>>, vector<1x16xf32>,
        %swap3A_289 = vector.shape_cast %swap3A_288 : vector<1x16xf32> to vector<16xf32>
        %swap3A_290 = vector.shape_cast %mul3A_285 : vector<16xf32> to vector<1x16xf32>
        tpu.vector_store %arg6[%swap3A_286, %swap3A_287], %swap3A_290 {strides = array<i32>} : memref<112x1024xf32, #tpu.memory_space<vmem>>, vector<1x16xf32>,
        %get3A_291 = arith.index_cast %add3A_148 : i32 to index
        %get3A_292 = arith.constant 192 : index
        %get3A_293 = tpu.vector_load %arg6[%get3A_291, %get3A_292] {strides = array<i32>} : memref<112x1024xf32, #tpu.memory_space<vmem>>, vector<1x16xf32>,
        %get3A_294 = vector.shape_cast %get3A_293 : vector<1x16xf32> to vector<16xf32>
        %mul3A_295 = arith.constant 3.200000e+01 : f32
        %mul3A_296 = vector.broadcast %mul3A_295 : f32 to vector<16xf32>
        %mul3A_297 = arith.mulf %get3A_294, %mul3A_296 : vector<16xf32>
        %swap3A_298 = arith.index_cast %add3A_148 : i32 to index
        %swap3A_299 = arith.constant 192 : index
        %swap3A_300 = tpu.vector_load %arg6[%swap3A_298, %swap3A_299] {strides = array<i32>} : memref<112x1024xf32, #tpu.memory_space<vmem>>, vector<1x16xf32>,
        %swap3A_301 = vector.shape_cast %swap3A_300 : vector<1x16xf32> to vector<16xf32>
        %swap3A_302 = vector.shape_cast %mul3A_297 : vector<16xf32> to vector<1x16xf32>
        tpu.vector_store %arg6[%swap3A_298, %swap3A_299], %swap3A_302 {strides = array<i32>} : memref<112x1024xf32, #tpu.memory_space<vmem>>, vector<1x16xf32>,
        %get3A_303 = arith.index_cast %add3A_148 : i32 to index
        %get3A_304 = arith.constant 208 : index
        %get3A_305 = tpu.vector_load %arg6[%get3A_303, %get3A_304] {strides = array<i32>} : memref<112x1024xf32, #tpu.memory_space<vmem>>, vector<1x16xf32>,
        %get3A_306 = vector.shape_cast %get3A_305 : vector<1x16xf32> to vector<16xf32>
        %mul3A_307 = arith.constant 3.200000e+01 : f32
        %mul3A_308 = vector.broadcast %mul3A_307 : f32 to vector<16xf32>
        %mul3A_309 = arith.mulf %get3A_306, %mul3A_308 : vector<16xf32>
        %swap3A_310 = arith.index_cast %add3A_148 : i32 to index
        %swap3A_311 = arith.constant 208 : index
        %swap3A_312 = tpu.vector_load %arg6[%swap3A_310, %swap3A_311] {strides = array<i32>} : memref<112x1024xf32, #tpu.memory_space<vmem>>, vector<1x16xf32>,
        %swap3A_313 = vector.shape_cast %swap3A_312 : vector<1x16xf32> to vector<16xf32>
        %swap3A_314 = vector.shape_cast %mul3A_309 : vector<16xf32> to vector<1x16xf32>
        tpu.vector_store %arg6[%swap3A_310, %swap3A_311], %swap3A_314 {strides = array<i32>} : memref<112x1024xf32, #tpu.memory_space<vmem>>, vector<1x16xf32>,
        %get3A_315 = arith.index_cast %add3A_148 : i32 to index
        %get3A_316 = arith.constant 224 : index
        %get3A_317 = tpu.vector_load %arg6[%get3A_315, %get3A_316] {strides = array<i32>} : memref<112x1024xf32, #tpu.memory_space<vmem>>, vector<1x16xf32>,
        %get3A_318 = vector.shape_cast %get3A_317 : vector<1x16xf32> to vector<16xf32>
        %mul3A_319 = arith.constant 3.200000e+01 : f32
        %mul3A_320 = vector.broadcast %mul3A_319 : f32 to vector<16xf32>
        %mul3A_321 = arith.mulf %get3A_318, %mul3A_320 : vector<16xf32>
        %swap3A_322 = arith.index_cast %add3A_148 : i32 to index
        %swap3A_323 = arith.constant 224 : index
        %swap3A_324 = tpu.vector_load %arg6[%swap3A_322, %swap3A_323] {strides = array<i32>} : memref<112x1024xf32, #tpu.memory_space<vmem>>, vector<1x16xf32>,
        %swap3A_325 = vector.shape_cast %swap3A_324 : vector<1x16xf32> to vector<16xf32>
        %swap3A_326 = vector.shape_cast %mul3A_321 : vector<16xf32> to vector<1x16xf32>
        tpu.vector_store %arg6[%swap3A_322, %swap3A_323], %swap3A_326 {strides = array<i32>} : memref<112x1024xf32, #tpu.memory_space<vmem>>, vector<1x16xf32>,
        %get3A_327 = arith.index_cast %add3A_148 : i32 to index
        %get3A_328 = arith.constant 240 : index
        %get3A_329 = tpu.vector_load %arg6[%get3A_327, %get3A_328] {strides = array<i32>} : memref<112x1024xf32, #tpu.memory_space<vmem>>, vector<1x16xf32>,
        %get3A_330 = vector.shape_cast %get3A_329 : vector<1x16xf32> to vector<16xf32>
        %mul3A_331 = arith.constant 3.200000e+01 : f32
        %mul3A_332 = vector.broadcast %mul3A_331 : f32 to vector<16xf32>
        %mul3A_333 = arith.mulf %get3A_330, %mul3A_332 : vector<16xf32>
        %swap3A_334 = arith.index_cast %add3A_148 : i32 to index
        %swap3A_335 = arith.constant 240 : index
        %swap3A_336 = tpu.vector_load %arg6[%swap3A_334, %swap3A_335] {strides = array<i32>} : memref<112x1024xf32, #tpu.memory_space<vmem>>, vector<1x16xf32>,
        %swap3A_337 = vector.shape_cast %swap3A_336 : vector<1x16xf32> to vector<16xf32>
        %swap3A_338 = vector.shape_cast %mul3A_333 : vector<16xf32> to vector<1x16xf32>
        tpu.vector_store %arg6[%swap3A_334, %swap3A_335], %swap3A_338 {strides = array<i32>} : memref<112x1024xf32, #tpu.memory_space<vmem>>, vector<1x16xf32>,
        %get3A_339 = arith.index_cast %add3A_148 : i32 to index
        %get3A_340 = arith.constant 256 : index
        %get3A_341 = tpu.vector_load %arg6[%get3A_339, %get3A_340] {strides = array<i32>} : memref<112x1024xf32, #tpu.memory_space<vmem>>, vector<1x16xf32>,
        %get3A_342 = vector.shape_cast %get3A_341 : vector<1x16xf32> to vector<16xf32>
        %mul3A_343 = arith.constant 3.200000e+01 : f32
        %mul3A_344 = vector.broadcast %mul3A_343 : f32 to vector<16xf32>
        %mul3A_345 = arith.mulf %get3A_342, %mul3A_344 : vector<16xf32>
        %swap3A_346 = arith.index_cast %add3A_148 : i32 to index
        %swap3A_347 = arith.constant 256 : index
        %swap3A_348 = tpu.vector_load %arg6[%swap3A_346, %swap3A_347] {strides = array<i32>} : memref<112x1024xf32, #tpu.memory_space<vmem>>, vector<1x16xf32>,
        %swap3A_349 = vector.shape_cast %swap3A_348 : vector<1x16xf32> to vector<16xf32>
        %swap3A_350 = vector.shape_cast %mul3A_345 : vector<16xf32> to vector<1x16xf32>
        tpu.vector_store %arg6[%swap3A_346, %swap3A_347], %swap3A_350 {strides = array<i32>} : memref<112x1024xf32, #tpu.memory_space<vmem>>, vector<1x16xf32>,
        %get3A_351 = arith.index_cast %add3A_148 : i32 to index
        %get3A_352 = arith.constant 272 : index
        %get3A_353 = tpu.vector_load %arg6[%get3A_351, %get3A_352] {strides = array<i32>} : memref<112x1024xf32, #tpu.memory_space<vmem>>, vector<1x16xf32>,
        %get3A_354 = vector.shape_cast %get3A_353 : vector<1x16xf32> to vector<16xf32>
        %mul3A_355 = arith.constant 3.200000e+01 : f32
        %mul3A_356 = vector.broadcast %mul3A_355 : f32 to vector<16xf32>
        %mul3A_357 = arith.mulf %get3A_354, %mul3A_356 : vector<16xf32>
        %swap3A_358 = arith.index_cast %add3A_148 : i32 to index
        %swap3A_359 = arith.constant 272 : index
        %swap3A_360 = tpu.vector_load %arg6[%swap3A_358, %swap3A_359] {strides = array<i32>} : memref<112x1024xf32, #tpu.memory_space<vmem>>, vector<1x16xf32>,
        %swap3A_361 = vector.shape_cast %swap3A_360 : vector<1x16xf32> to vector<16xf32>
        %swap3A_362 = vector.shape_cast %mul3A_357 : vector<16xf32> to vector<1x16xf32>
        tpu.vector_store %arg6[%swap3A_358, %swap3A_359], %swap3A_362 {strides = array<i32>} : memref<112x1024xf32, #tpu.memory_space<vmem>>, vector<1x16xf32>,
        %get3A_363 = arith.index_cast %add3A_148 : i32 to index
        %get3A_364 = arith.constant 288 : index
        %get3A_365 = tpu.vector_load %arg6[%get3A_363, %get3A_364] {strides = array<i32>} : memref<112x1024xf32, #tpu.memory_space<vmem>>, vector<1x16xf32>,
        %get3A_366 = vector.shape_cast %get3A_365 : vector<1x16xf32> to vector<16xf32>
        %mul3A_367 = arith.constant 3.200000e+01 : f32
        %mul3A_368 = vector.broadcast %mul3A_367 : f32 to vector<16xf32>
        %mul3A_369 = arith.mulf %get3A_366, %mul3A_368 : vector<16xf32>
        %swap3A_370 = arith.index_cast %add3A_148 : i32 to index
        %swap3A_371 = arith.constant 288 : index
        %swap3A_372 = tpu.vector_load %arg6[%swap3A_370, %swap3A_371] {strides = array<i32>} : memref<112x1024xf32, #tpu.memory_space<vmem>>, vector<1x16xf32>,
        %swap3A_373 = vector.shape_cast %swap3A_372 : vector<1x16xf32> to vector<16xf32>
        %swap3A_374 = vector.shape_cast %mul3A_369 : vector<16xf32> to vector<1x16xf32>
        tpu.vector_store %arg6[%swap3A_370, %swap3A_371], %swap3A_374 {strides = array<i32>} : memref<112x1024xf32, #tpu.memory_space<vmem>>, vector<1x16xf32>,
        %get3A_375 = arith.index_cast %add3A_148 : i32 to index
        %get3A_376 = arith.constant 304 : index
        %get3A_377 = tpu.vector_load %arg6[%get3A_375, %get3A_376] {strides = array<i32>} : memref<112x1024xf32, #tpu.memory_space<vmem>>, vector<1x16xf32>,
        %get3A_378 = vector.shape_cast %get3A_377 : vector<1x16xf32> to vector<16xf32>
        %mul3A_379 = arith.constant 3.200000e+01 : f32
        %mul3A_380 = vector.broadcast %mul3A_379 : f32 to vector<16xf32>
        %mul3A_381 = arith.mulf %get3A_378, %mul3A_380 : vector<16xf32>
        %swap3A_382 = arith.index_cast %add3A_148 : i32 to index
        %swap3A_383 = arith.constant 304 : index
        %swap3A_384 = tpu.vector_load %arg6[%swap3A_382, %swap3A_383] {strides = array<i32>} : memref<112x1024xf32, #tpu.memory_space<vmem>>, vector<1x16xf32>,
        %swap3A_385 = vector.shape_cast %swap3A_384 : vector<1x16xf32> to vector<16xf32>
        %swap3A_386 = vector.shape_cast %mul3A_381 : vector<16xf32> to vector<1x16xf32>
        tpu.vector_store %arg6[%swap3A_382, %swap3A_383], %swap3A_386 {strides = array<i32>} : memref<112x1024xf32, #tpu.memory_space<vmem>>, vector<1x16xf32>,
        %get3A_387 = arith.index_cast %add3A_148 : i32 to index
        %get3A_388 = arith.constant 320 : index
        %get3A_389 = tpu.vector_load %arg6[%get3A_387, %get3A_388] {strides = array<i32>} : memref<112x1024xf32, #tpu.memory_space<vmem>>, vector<1x16xf32>,
        %get3A_390 = vector.shape_cast %get3A_389 : vector<1x16xf32> to vector<16xf32>
        %mul3A_391 = arith.constant 3.200000e+01 : f32
        %mul3A_392 = vector.broadcast %mul3A_391 : f32 to vector<16xf32>
        %mul3A_393 = arith.mulf %get3A_390, %mul3A_392 : vector<16xf32>
        %swap3A_394 = arith.index_cast %add3A_148 : i32 to index
        %swap3A_395 = arith.constant 320 : index
        %swap3A_396 = tpu.vector_load %arg6[%swap3A_394, %swap3A_395] {strides = array<i32>} : memref<112x1024xf32, #tpu.memory_space<vmem>>, vector<1x16xf32>,
        %swap3A_397 = vector.shape_cast %swap3A_396 : vector<1x16xf32> to vector<16xf32>
        %swap3A_398 = vector.shape_cast %mul3A_393 : vector<16xf32> to vector<1x16xf32>
        tpu.vector_store %arg6[%swap3A_394, %swap3A_395], %swap3A_398 {strides = array<i32>} : memref<112x1024xf32, #tpu.memory_space<vmem>>, vector<1x16xf32>,
        %get3A_399 = arith.index_cast %add3A_148 : i32 to index
        %get3A_400 = arith.constant 336 : index
        %get3A_401 = tpu.vector_load %arg6[%get3A_399, %get3A_400] {strides = array<i32>} : memref<112x1024xf32, #tpu.memory_space<vmem>>, vector<1x16xf32>,
        %get3A_402 = vector.shape_cast %get3A_401 : vector<1x16xf32> to vector<16xf32>
        %mul3A_403 = arith.constant 3.200000e+01 : f32
        %mul3A_404 = vector.broadcast %mul3A_403 : f32 to vector<16xf32>
        %mul3A_405 = arith.mulf %get3A_402, %mul3A_404 : vector<16xf32>
        %swap3A_406 = arith.index_cast %add3A_148 : i32 to index
        %swap3A_407 = arith.constant 336 : index
        %swap3A_408 = tpu.vector_load %arg6[%swap3A_406, %swap3A_407] {strides = array<i32>} : memref<112x1024xf32, #tpu.memory_space<vmem>>, vector<1x16xf32>,
        %swap3A_409 = vector.shape_cast %swap3A_408 : vector<1x16xf32> to vector<16xf32>
        %swap3A_410 = vector.shape_cast %mul3A_405 : vector<16xf32> to vector<1x16xf32>
        tpu.vector_store %arg6[%swap3A_406, %swap3A_407], %swap3A_410 {strides = array<i32>} : memref<112x1024xf32, #tpu.memory_space<vmem>>, vector<1x16xf32>,
        %get3A_411 = arith.index_cast %add3A_148 : i32 to index
        %get3A_412 = arith.constant 352 : index
        %get3A_413 = tpu.vector_load %arg6[%get3A_411, %get3A_412] {strides = array<i32>} : memref<112x1024xf32, #tpu.memory_space<vmem>>, vector<1x16xf32>,
        %get3A_414 = vector.shape_cast %get3A_413 : vector<1x16xf32> to vector<16xf32>
        %mul3A_415 = arith.constant 3.200000e+01 : f32
        %mul3A_416 = vector.broadcast %mul3A_415 : f32 to vector<16xf32>
        %mul3A_417 = arith.mulf %get3A_414, %mul3A_416 : vector<16xf32>
        %swap3A_418 = arith.index_cast %add3A_148 : i32 to index
        %swap3A_419 = arith.constant 352 : index
        %swap3A_420 = tpu.vector_load %arg6[%swap3A_418, %swap3A_419] {strides = array<i32>} : memref<112x1024xf32, #tpu.memory_space<vmem>>, vector<1x16xf32>,
        %swap3A_421 = vector.shape_cast %swap3A_420 : vector<1x16xf32> to vector<16xf32>
        %swap3A_422 = vector.shape_cast %mul3A_417 : vector<16xf32> to vector<1x16xf32>
        tpu.vector_store %arg6[%swap3A_418, %swap3A_419], %swap3A_422 {strides = array<i32>} : memref<112x1024xf32, #tpu.memory_space<vmem>>, vector<1x16xf32>,
        %get3A_423 = arith.index_cast %add3A_148 : i32 to index
        %get3A_424 = arith.constant 368 : index
        %get3A_425 = tpu.vector_load %arg6[%get3A_423, %get3A_424] {strides = array<i32>} : memref<112x1024xf32, #tpu.memory_space<vmem>>, vector<1x16xf32>,
        %get3A_426 = vector.shape_cast %get3A_425 : vector<1x16xf32> to vector<16xf32>
        %mul3A_427 = arith.constant 3.200000e+01 : f32
        %mul3A_428 = vector.broadcast %mul3A_427 : f32 to vector<16xf32>
        %mul3A_429 = arith.mulf %get3A_426, %mul3A_428 : vector<16xf32>
        %swap3A_430 = arith.index_cast %add3A_148 : i32 to index
        %swap3A_431 = arith.constant 368 : index
        %swap3A_432 = tpu.vector_load %arg6[%swap3A_430, %swap3A_431] {strides = array<i32>} : memref<112x1024xf32, #tpu.memory_space<vmem>>, vector<1x16xf32>,
        %swap3A_433 = vector.shape_cast %swap3A_432 : vector<1x16xf32> to vector<16xf32>
        %swap3A_434 = vector.shape_cast %mul3A_429 : vector<16xf32> to vector<1x16xf32>
        tpu.vector_store %arg6[%swap3A_430, %swap3A_431], %swap3A_434 {strides = array<i32>} : memref<112x1024xf32, #tpu.memory_space<vmem>>, vector<1x16xf32>,
        %get3A_435 = arith.index_cast %add3A_148 : i32 to index
        %get3A_436 = arith.constant 384 : index
        %get3A_437 = tpu.vector_load %arg6[%get3A_435, %get3A_436] {strides = array<i32>} : memref<112x1024xf32, #tpu.memory_space<vmem>>, vector<1x16xf32>,
        %get3A_438 = vector.shape_cast %get3A_437 : vector<1x16xf32> to vector<16xf32>
        %mul3A_439 = arith.constant 3.200000e+01 : f32
        %mul3A_440 = vector.broadcast %mul3A_439 : f32 to vector<16xf32>
        %mul3A_441 = arith.mulf %get3A_438, %mul3A_440 : vector<16xf32>
        %swap3A_442 = arith.index_cast %add3A_148 : i32 to index
        %swap3A_443 = arith.constant 384 : index
        %swap3A_444 = tpu.vector_load %arg6[%swap3A_442, %swap3A_443] {strides = array<i32>} : memref<112x1024xf32, #tpu.memory_space<vmem>>, vector<1x16xf32>,
        %swap3A_445 = vector.shape_cast %swap3A_444 : vector<1x16xf32> to vector<16xf32>
        %swap3A_446 = vector.shape_cast %mul3A_441 : vector<16xf32> to vector<1x16xf32>
        tpu.vector_store %arg6[%swap3A_442, %swap3A_443], %swap3A_446 {strides = array<i32>} : memref<112x1024xf32, #tpu.memory_space<vmem>>, vector<1x16xf32>,
        %get3A_447 = arith.index_cast %add3A_148 : i32 to index
        %get3A_448 = arith.constant 400 : index
        %get3A_449 = tpu.vector_load %arg6[%get3A_447, %get3A_448] {strides = array<i32>} : memref<112x1024xf32, #tpu.memory_space<vmem>>, vector<1x16xf32>,
        %get3A_450 = vector.shape_cast %get3A_449 : vector<1x16xf32> to vector<16xf32>
        %mul3A_451 = arith.constant 3.200000e+01 : f32
        %mul3A_452 = vector.broadcast %mul3A_451 : f32 to vector<16xf32>
        %mul3A_453 = arith.mulf %get3A_450, %mul3A_452 : vector<16xf32>
        %swap3A_454 = arith.index_cast %add3A_148 : i32 to index
        %swap3A_455 = arith.constant 400 : index
        %swap3A_456 = tpu.vector_load %arg6[%swap3A_454, %swap3A_455] {strides = array<i32>} : memref<112x1024xf32, #tpu.memory_space<vmem>>, vector<1x16xf32>,
        %swap3A_457 = vector.shape_cast %swap3A_456 : vector<1x16xf32> to vector<16xf32>
        %swap3A_458 = vector.shape_cast %mul3A_453 : vector<16xf32> to vector<1x16xf32>
        tpu.vector_store %arg6[%swap3A_454, %swap3A_455], %swap3A_458 {strides = array<i32>} : memref<112x1024xf32, #tpu.memory_space<vmem>>, vector<1x16xf32>,
        %get3A_459 = arith.index_cast %add3A_148 : i32 to index
        %get3A_460 = arith.constant 416 : index
        %get3A_461 = tpu.vector_load %arg6[%get3A_459, %get3A_460] {strides = array<i32>} : memref<112x1024xf32, #tpu.memory_space<vmem>>, vector<1x16xf32>,
        %get3A_462 = vector.shape_cast %get3A_461 : vector<1x16xf32> to vector<16xf32>
        %mul3A_463 = arith.constant 3.200000e+01 : f32
        %mul3A_464 = vector.broadcast %mul3A_463 : f32 to vector<16xf32>
        %mul3A_465 = arith.mulf %get3A_462, %mul3A_464 : vector<16xf32>
        %swap3A_466 = arith.index_cast %add3A_148 : i32 to index
        %swap3A_467 = arith.constant 416 : index
        %swap3A_468 = tpu.vector_load %arg6[%swap3A_466, %swap3A_467] {strides = array<i32>} : memref<112x1024xf32, #tpu.memory_space<vmem>>, vector<1x16xf32>,
        %swap3A_469 = vector.shape_cast %swap3A_468 : vector<1x16xf32> to vector<16xf32>
        %swap3A_470 = vector.shape_cast %mul3A_465 : vector<16xf32> to vector<1x16xf32>
        tpu.vector_store %arg6[%swap3A_466, %swap3A_467], %swap3A_470 {strides = array<i32>} : memref<112x1024xf32, #tpu.memory_space<vmem>>, vector<1x16xf32>,
        %get3A_471 = arith.index_cast %add3A_148 : i32 to index
        %get3A_472 = arith.constant 432 : index
        %get3A_473 = tpu.vector_load %arg6[%get3A_471, %get3A_472] {strides = array<i32>} : memref<112x1024xf32, #tpu.memory_space<vmem>>, vector<1x16xf32>,
        %get3A_474 = vector.shape_cast %get3A_473 : vector<1x16xf32> to vector<16xf32>
        %mul3A_475 = arith.constant 3.200000e+01 : f32
        %mul3A_476 = vector.broadcast %mul3A_475 : f32 to vector<16xf32>
        %mul3A_477 = arith.mulf %get3A_474, %mul3A_476 : vector<16xf32>
        %swap3A_478 = arith.index_cast %add3A_148 : i32 to index
        %swap3A_479 = arith.constant 432 : index
        %swap3A_480 = tpu.vector_load %arg6[%swap3A_478, %swap3A_479] {strides = array<i32>} : memref<112x1024xf32, #tpu.memory_space<vmem>>, vector<1x16xf32>,
        %swap3A_481 = vector.shape_cast %swap3A_480 : vector<1x16xf32> to vector<16xf32>
        %swap3A_482 = vector.shape_cast %mul3A_477 : vector<16xf32> to vector<1x16xf32>
        tpu.vector_store %arg6[%swap3A_478, %swap3A_479], %swap3A_482 {strides = array<i32>} : memref<112x1024xf32, #tpu.memory_space<vmem>>, vector<1x16xf32>,
        %get3A_483 = arith.index_cast %add3A_148 : i32 to index
        %get3A_484 = arith.constant 448 : index
        %get3A_485 = tpu.vector_load %arg6[%get3A_483, %get3A_484] {strides = array<i32>} : memref<112x1024xf32, #tpu.memory_space<vmem>>, vector<1x16xf32>,
        %get3A_486 = vector.shape_cast %get3A_485 : vector<1x16xf32> to vector<16xf32>
        %mul3A_487 = arith.constant 3.200000e+01 : f32
        %mul3A_488 = vector.broadcast %mul3A_487 : f32 to vector<16xf32>
        %mul3A_489 = arith.mulf %get3A_486, %mul3A_488 : vector<16xf32>
        %swap3A_490 = arith.index_cast %add3A_148 : i32 to index
        %swap3A_491 = arith.constant 448 : index
        %swap3A_492 = tpu.vector_load %arg6[%swap3A_490, %swap3A_491] {strides = array<i32>} : memref<112x1024xf32, #tpu.memory_space<vmem>>, vector<1x16xf32>,
        %swap3A_493 = vector.shape_cast %swap3A_492 : vector<1x16xf32> to vector<16xf32>
        %swap3A_494 = vector.shape_cast %mul3A_489 : vector<16xf32> to vector<1x16xf32>
        tpu.vector_store %arg6[%swap3A_490, %swap3A_491], %swap3A_494 {strides = array<i32>} : memref<112x1024xf32, #tpu.memory_space<vmem>>, vector<1x16xf32>,
        %get3A_495 = arith.index_cast %add3A_148 : i32 to index
        %get3A_496 = arith.constant 464 : index
        %get3A_497 = tpu.vector_load %arg6[%get3A_495, %get3A_496] {strides = array<i32>} : memref<112x1024xf32, #tpu.memory_space<vmem>>, vector<1x16xf32>,
        %get3A_498 = vector.shape_cast %get3A_497 : vector<1x16xf32> to vector<16xf32>
        %mul3A_499 = arith.constant 3.200000e+01 : f32
        %mul3A_500 = vector.broadcast %mul3A_499 : f32 to vector<16xf32>
        %mul3A_501 = arith.mulf %get3A_498, %mul3A_500 : vector<16xf32>
        %swap3A_502 = arith.index_cast %add3A_148 : i32 to index
        %swap3A_503 = arith.constant 464 : index
        %swap3A_504 = tpu.vector_load %arg6[%swap3A_502, %swap3A_503] {strides = array<i32>} : memref<112x1024xf32, #tpu.memory_space<vmem>>, vector<1x16xf32>,
        %swap3A_505 = vector.shape_cast %swap3A_504 : vector<1x16xf32> to vector<16xf32>
        %swap3A_506 = vector.shape_cast %mul3A_501 : vector<16xf32> to vector<1x16xf32>
        tpu.vector_store %arg6[%swap3A_502, %swap3A_503], %swap3A_506 {strides = array<i32>} : memref<112x1024xf32, #tpu.memory_space<vmem>>, vector<1x16xf32>,
        %get3A_507 = arith.index_cast %add3A_148 : i32 to index
        %get3A_508 = arith.constant 480 : index
        %get3A_509 = tpu.vector_load %arg6[%get3A_507, %get3A_508] {strides = array<i32>} : memref<112x1024xf32, #tpu.memory_space<vmem>>, vector<1x16xf32>,
        %get3A_510 = vector.shape_cast %get3A_509 : vector<1x16xf32> to vector<16xf32>
        %mul3A_511 = arith.constant 3.200000e+01 : f32
        %mul3A_512 = vector.broadcast %mul3A_511 : f32 to vector<16xf32>
        %mul3A_513 = arith.mulf %get3A_510, %mul3A_512 : vector<16xf32>
        %swap3A_514 = arith.index_cast %add3A_148 : i32 to index
        %swap3A_515 = arith.constant 480 : index
        %swap3A_516 = tpu.vector_load %arg6[%swap3A_514, %swap3A_515] {strides = array<i32>} : memref<112x1024xf32, #tpu.memory_space<vmem>>, vector<1x16xf32>,
        %swap3A_517 = vector.shape_cast %swap3A_516 : vector<1x16xf32> to vector<16xf32>
        %swap3A_518 = vector.shape_cast %mul3A_513 : vector<16xf32> to vector<1x16xf32>
        tpu.vector_store %arg6[%swap3A_514, %swap3A_515], %swap3A_518 {strides = array<i32>} : memref<112x1024xf32, #tpu.memory_space<vmem>>, vector<1x16xf32>,
        %get3A_519 = arith.index_cast %add3A_148 : i32 to index
        %get3A_520 = arith.constant 496 : index
        %get3A_521 = tpu.vector_load %arg6[%get3A_519, %get3A_520] {strides = array<i32>} : memref<112x1024xf32, #tpu.memory_space<vmem>>, vector<1x16xf32>,
        %get3A_522 = vector.shape_cast %get3A_521 : vector<1x16xf32> to vector<16xf32>
        %mul3A_523 = arith.constant 3.200000e+01 : f32
        %mul3A_524 = vector.broadcast %mul3A_523 : f32 to vector<16xf32>
        %mul3A_525 = arith.mulf %get3A_522, %mul3A_524 : vector<16xf32>
        %swap3A_526 = arith.index_cast %add3A_148 : i32 to index
        %swap3A_527 = arith.constant 496 : index
        %swap3A_528 = tpu.vector_load %arg6[%swap3A_526, %swap3A_527] {strides = array<i32>} : memref<112x1024xf32, #tpu.memory_space<vmem>>, vector<1x16xf32>,
        %swap3A_529 = vector.shape_cast %swap3A_528 : vector<1x16xf32> to vector<16xf32>
        %swap3A_530 = vector.shape_cast %mul3A_525 : vector<16xf32> to vector<1x16xf32>
        tpu.vector_store %arg6[%swap3A_526, %swap3A_527], %swap3A_530 {strides = array<i32>} : memref<112x1024xf32, #tpu.memory_space<vmem>>, vector<1x16xf32>,
        %get3A_531 = arith.index_cast %add3A_148 : i32 to index
        %get3A_532 = arith.constant 512 : index
        %get3A_533 = tpu.vector_load %arg6[%get3A_531, %get3A_532] {strides = array<i32>} : memref<112x1024xf32, #tpu.memory_space<vmem>>, vector<1x16xf32>,
        %get3A_534 = vector.shape_cast %get3A_533 : vector<1x16xf32> to vector<16xf32>
        %mul3A_535 = arith.constant 3.200000e+01 : f32
        %mul3A_536 = vector.broadcast %mul3A_535 : f32 to vector<16xf32>
        %mul3A_537 = arith.mulf %get3A_534, %mul3A_536 : vector<16xf32>
        %swap3A_538 = arith.index_cast %add3A_148 : i32 to index
        %swap3A_539 = arith.constant 512 : index
        %swap3A_540 = tpu.vector_load %arg6[%swap3A_538, %swap3A_539] {strides = array<i32>} : memref<112x1024xf32, #tpu.memory_space<vmem>>, vector<1x16xf32>,
        %swap3A_541 = vector.shape_cast %swap3A_540 : vector<1x16xf32> to vector<16xf32>
        %swap3A_542 = vector.shape_cast %mul3A_537 : vector<16xf32> to vector<1x16xf32>
        tpu.vector_store %arg6[%swap3A_538, %swap3A_539], %swap3A_542 {strides = array<i32>} : memref<112x1024xf32, #tpu.memory_space<vmem>>, vector<1x16xf32>,
        %get3A_543 = arith.index_cast %add3A_148 : i32 to index
        %get3A_544 = arith.constant 528 : index
        %get3A_545 = tpu.vector_load %arg6[%get3A_543, %get3A_544] {strides = array<i32>} : memref<112x1024xf32, #tpu.memory_space<vmem>>, vector<1x16xf32>,
        %get3A_546 = vector.shape_cast %get3A_545 : vector<1x16xf32> to vector<16xf32>
        %mul3A_547 = arith.constant 3.200000e+01 : f32
        %mul3A_548 = vector.broadcast %mul3A_547 : f32 to vector<16xf32>
        %mul3A_549 = arith.mulf %get3A_546, %mul3A_548 : vector<16xf32>
        %swap3A_550 = arith.index_cast %add3A_148 : i32 to index
        %swap3A_551 = arith.constant 528 : index
        %swap3A_552 = tpu.vector_load %arg6[%swap3A_550, %swap3A_551] {strides = array<i32>} : memref<112x1024xf32, #tpu.memory_space<vmem>>, vector<1x16xf32>,
        %swap3A_553 = vector.shape_cast %swap3A_552 : vector<1x16xf32> to vector<16xf32>
        %swap3A_554 = vector.shape_cast %mul3A_549 : vector<16xf32> to vector<1x16xf32>
        tpu.vector_store %arg6[%swap3A_550, %swap3A_551], %swap3A_554 {strides = array<i32>} : memref<112x1024xf32, #tpu.memory_space<vmem>>, vector<1x16xf32>,
        %get3A_555 = arith.index_cast %add3A_148 : i32 to index
        %get3A_556 = arith.constant 544 : index
        %get3A_557 = tpu.vector_load %arg6[%get3A_555, %get3A_556] {strides = array<i32>} : memref<112x1024xf32, #tpu.memory_space<vmem>>, vector<1x16xf32>,
        %get3A_558 = vector.shape_cast %get3A_557 : vector<1x16xf32> to vector<16xf32>
        %mul3A_559 = arith.constant 3.200000e+01 : f32
        %mul3A_560 = vector.broadcast %mul3A_559 : f32 to vector<16xf32>
        %mul3A_561 = arith.mulf %get3A_558, %mul3A_560 : vector<16xf32>
        %swap3A_562 = arith.index_cast %add3A_148 : i32 to index
        %swap3A_563 = arith.constant 544 : index
        %swap3A_564 = tpu.vector_load %arg6[%swap3A_562, %swap3A_563] {strides = array<i32>} : memref<112x1024xf32, #tpu.memory_space<vmem>>, vector<1x16xf32>,
        %swap3A_565 = vector.shape_cast %swap3A_564 : vector<1x16xf32> to vector<16xf32>
        %swap3A_566 = vector.shape_cast %mul3A_561 : vector<16xf32> to vector<1x16xf32>
        tpu.vector_store %arg6[%swap3A_562, %swap3A_563], %swap3A_566 {strides = array<i32>} : memref<112x1024xf32, #tpu.memory_space<vmem>>, vector<1x16xf32>,
        %get3A_567 = arith.index_cast %add3A_148 : i32 to index
        %get3A_568 = arith.constant 560 : index
        %get3A_569 = tpu.vector_load %arg6[%get3A_567, %get3A_568] {strides = array<i32>} : memref<112x1024xf32, #tpu.memory_space<vmem>>, vector<1x16xf32>,
        %get3A_570 = vector.shape_cast %get3A_569 : vector<1x16xf32> to vector<16xf32>
        %mul3A_571 = arith.constant 3.200000e+01 : f32
        %mul3A_572 = vector.broadcast %mul3A_571 : f32 to vector<16xf32>
        %mul3A_573 = arith.mulf %get3A_570, %mul3A_572 : vector<16xf32>
        %swap3A_574 = arith.index_cast %add3A_148 : i32 to index
        %swap3A_575 = arith.constant 560 : index
        %swap3A_576 = tpu.vector_load %arg6[%swap3A_574, %swap3A_575] {strides = array<i32>} : memref<112x1024xf32, #tpu.memory_space<vmem>>, vector<1x16xf32>,
        %swap3A_577 = vector.shape_cast %swap3A_576 : vector<1x16xf32> to vector<16xf32>
        %swap3A_578 = vector.shape_cast %mul3A_573 : vector<16xf32> to vector<1x16xf32>
        tpu.vector_store %arg6[%swap3A_574, %swap3A_575], %swap3A_578 {strides = array<i32>} : memref<112x1024xf32, #tpu.memory_space<vmem>>, vector<1x16xf32>,
        %get3A_579 = arith.index_cast %add3A_148 : i32 to index
        %get3A_580 = arith.constant 576 : index
        %get3A_581 = tpu.vector_load %arg6[%get3A_579, %get3A_580] {strides = array<i32>} : memref<112x1024xf32, #tpu.memory_space<vmem>>, vector<1x16xf32>,
        %get3A_582 = vector.shape_cast %get3A_581 : vector<1x16xf32> to vector<16xf32>
        %mul3A_583 = arith.constant 3.200000e+01 : f32
        %mul3A_584 = vector.broadcast %mul3A_583 : f32 to vector<16xf32>
        %mul3A_585 = arith.mulf %get3A_582, %mul3A_584 : vector<16xf32>
        %swap3A_586 = arith.index_cast %add3A_148 : i32 to index
        %swap3A_587 = arith.constant 576 : index
        %swap3A_588 = tpu.vector_load %arg6[%swap3A_586, %swap3A_587] {strides = array<i32>} : memref<112x1024xf32, #tpu.memory_space<vmem>>, vector<1x16xf32>,
        %swap3A_589 = vector.shape_cast %swap3A_588 : vector<1x16xf32> to vector<16xf32>
        %swap3A_590 = vector.shape_cast %mul3A_585 : vector<16xf32> to vector<1x16xf32>
        tpu.vector_store %arg6[%swap3A_586, %swap3A_587], %swap3A_590 {strides = array<i32>} : memref<112x1024xf32, #tpu.memory_space<vmem>>, vector<1x16xf32>,
        %get3A_591 = arith.index_cast %add3A_148 : i32 to index
        %get3A_592 = arith.constant 592 : index
        %get3A_593 = tpu.vector_load %arg6[%get3A_591, %get3A_592] {strides = array<i32>} : memref<112x1024xf32, #tpu.memory_space<vmem>>, vector<1x16xf32>,
        %get3A_594 = vector.shape_cast %get3A_593 : vector<1x16xf32> to vector<16xf32>
        %mul3A_595 = arith.constant 3.200000e+01 : f32
        %mul3A_596 = vector.broadcast %mul3A_595 : f32 to vector<16xf32>
        %mul3A_597 = arith.mulf %get3A_594, %mul3A_596 : vector<16xf32>
        %swap3A_598 = arith.index_cast %add3A_148 : i32 to index
        %swap3A_599 = arith.constant 592 : index
        %swap3A_600 = tpu.vector_load %arg6[%swap3A_598, %swap3A_599] {strides = array<i32>} : memref<112x1024xf32, #tpu.memory_space<vmem>>, vector<1x16xf32>,
        %swap3A_601 = vector.shape_cast %swap3A_600 : vector<1x16xf32> to vector<16xf32>
        %swap3A_602 = vector.shape_cast %mul3A_597 : vector<16xf32> to vector<1x16xf32>
        tpu.vector_store %arg6[%swap3A_598, %swap3A_599], %swap3A_602 {strides = array<i32>} : memref<112x1024xf32, #tpu.memory_space<vmem>>, vector<1x16xf32>,
        %get3A_603 = arith.index_cast %add3A_148 : i32 to index
        %get3A_604 = arith.constant 608 : index
        %get3A_605 = tpu.vector_load %arg6[%get3A_603, %get3A_604] {strides = array<i32>} : memref<112x1024xf32, #tpu.memory_space<vmem>>, vector<1x16xf32>,
        %get3A_606 = vector.shape_cast %get3A_605 : vector<1x16xf32> to vector<16xf32>
        %mul3A_607 = arith.constant 3.200000e+01 : f32
        %mul3A_608 = vector.broadcast %mul3A_607 : f32 to vector<16xf32>
        %mul3A_609 = arith.mulf %get3A_606, %mul3A_608 : vector<16xf32>
        %swap3A_610 = arith.index_cast %add3A_148 : i32 to index
        %swap3A_611 = arith.constant 608 : index
        %swap3A_612 = tpu.vector_load %arg6[%swap3A_610, %swap3A_611] {strides = array<i32>} : memref<112x1024xf32, #tpu.memory_space<vmem>>, vector<1x16xf32>,
        %swap3A_613 = vector.shape_cast %swap3A_612 : vector<1x16xf32> to vector<16xf32>
        %swap3A_614 = vector.shape_cast %mul3A_609 : vector<16xf32> to vector<1x16xf32>
        tpu.vector_store %arg6[%swap3A_610, %swap3A_611], %swap3A_614 {strides = array<i32>} : memref<112x1024xf32, #tpu.memory_space<vmem>>, vector<1x16xf32>,
        %get3A_615 = arith.index_cast %add3A_148 : i32 to index
        %get3A_616 = arith.constant 624 : index
        %get3A_617 = tpu.vector_load %arg6[%get3A_615, %get3A_616] {strides = array<i32>} : memref<112x1024xf32, #tpu.memory_space<vmem>>, vector<1x16xf32>,
        %get3A_618 = vector.shape_cast %get3A_617 : vector<1x16xf32> to vector<16xf32>
        %mul3A_619 = arith.constant 3.200000e+01 : f32
        %mul3A_620 = vector.broadcast %mul3A_619 : f32 to vector<16xf32>
        %mul3A_621 = arith.mulf %get3A_618, %mul3A_620 : vector<16xf32>
        %swap3A_622 = arith.index_cast %add3A_148 : i32 to index
        %swap3A_623 = arith.constant 624 : index
        %swap3A_624 = tpu.vector_load %arg6[%swap3A_622, %swap3A_623] {strides = array<i32>} : memref<112x1024xf32, #tpu.memory_space<vmem>>, vector<1x16xf32>,
        %swap3A_625 = vector.shape_cast %swap3A_624 : vector<1x16xf32> to vector<16xf32>
        %swap3A_626 = vector.shape_cast %mul3A_621 : vector<16xf32> to vector<1x16xf32>
        tpu.vector_store %arg6[%swap3A_622, %swap3A_623], %swap3A_626 {strides = array<i32>} : memref<112x1024xf32, #tpu.memory_space<vmem>>, vector<1x16xf32>,
        %get3A_627 = arith.index_cast %add3A_148 : i32 to index
        %get3A_628 = arith.constant 640 : index
        %get3A_629 = tpu.vector_load %arg6[%get3A_627, %get3A_628] {strides = array<i32>} : memref<112x1024xf32, #tpu.memory_space<vmem>>, vector<1x16xf32>,
        %get3A_630 = vector.shape_cast %get3A_629 : vector<1x16xf32> to vector<16xf32>
        %mul3A_631 = arith.constant 3.200000e+01 : f32
        %mul3A_632 = vector.broadcast %mul3A_631 : f32 to vector<16xf32>
        %mul3A_633 = arith.mulf %get3A_630, %mul3A_632 : vector<16xf32>
        %swap3A_634 = arith.index_cast %add3A_148 : i32 to index
        %swap3A_635 = arith.constant 640 : index
        %swap3A_636 = tpu.vector_load %arg6[%swap3A_634, %swap3A_635] {strides = array<i32>} : memref<112x1024xf32, #tpu.memory_space<vmem>>, vector<1x16xf32>,
        %swap3A_637 = vector.shape_cast %swap3A_636 : vector<1x16xf32> to vector<16xf32>
        %swap3A_638 = vector.shape_cast %mul3A_633 : vector<16xf32> to vector<1x16xf32>
        tpu.vector_store %arg6[%swap3A_634, %swap3A_635], %swap3A_638 {strides = array<i32>} : memref<112x1024xf32, #tpu.memory_space<vmem>>, vector<1x16xf32>,
        %get3A_639 = arith.index_cast %add3A_148 : i32 to index
        %get3A_640 = arith.constant 656 : index
        %get3A_641 = tpu.vector_load %arg6[%get3A_639, %get3A_640] {strides = array<i32>} : memref<112x1024xf32, #tpu.memory_space<vmem>>, vector<1x16xf32>,
        %get3A_642 = vector.shape_cast %get3A_641 : vector<1x16xf32> to vector<16xf32>
        %mul3A_643 = arith.constant 3.200000e+01 : f32
        %mul3A_644 = vector.broadcast %mul3A_643 : f32 to vector<16xf32>
        %mul3A_645 = arith.mulf %get3A_642, %mul3A_644 : vector<16xf32>
        %swap3A_646 = arith.index_cast %add3A_148 : i32 to index
        %swap3A_647 = arith.constant 656 : index
        %swap3A_648 = tpu.vector_load %arg6[%swap3A_646, %swap3A_647] {strides = array<i32>} : memref<112x1024xf32, #tpu.memory_space<vmem>>, vector<1x16xf32>,
        %swap3A_649 = vector.shape_cast %swap3A_648 : vector<1x16xf32> to vector<16xf32>
        %swap3A_650 = vector.shape_cast %mul3A_645 : vector<16xf32> to vector<1x16xf32>
        tpu.vector_store %arg6[%swap3A_646, %swap3A_647], %swap3A_650 {strides = array<i32>} : memref<112x1024xf32, #tpu.memory_space<vmem>>, vector<1x16xf32>,
        %get3A_651 = arith.index_cast %add3A_148 : i32 to index
        %get3A_652 = arith.constant 672 : index
        %get3A_653 = tpu.vector_load %arg6[%get3A_651, %get3A_652] {strides = array<i32>} : memref<112x1024xf32, #tpu.memory_space<vmem>>, vector<1x16xf32>,
        %get3A_654 = vector.shape_cast %get3A_653 : vector<1x16xf32> to vector<16xf32>
        %mul3A_655 = arith.constant 3.200000e+01 : f32
        %mul3A_656 = vector.broadcast %mul3A_655 : f32 to vector<16xf32>
        %mul3A_657 = arith.mulf %get3A_654, %mul3A_656 : vector<16xf32>
        %swap3A_658 = arith.index_cast %add3A_148 : i32 to index
        %swap3A_659 = arith.constant 672 : index
        %swap3A_660 = tpu.vector_load %arg6[%swap3A_658, %swap3A_659] {strides = array<i32>} : memref<112x1024xf32, #tpu.memory_space<vmem>>, vector<1x16xf32>,
        %swap3A_661 = vector.shape_cast %swap3A_660 : vector<1x16xf32> to vector<16xf32>
        %swap3A_662 = vector.shape_cast %mul3A_657 : vector<16xf32> to vector<1x16xf32>
        tpu.vector_store %arg6[%swap3A_658, %swap3A_659], %swap3A_662 {strides = array<i32>} : memref<112x1024xf32, #tpu.memory_space<vmem>>, vector<1x16xf32>,
        %get3A_663 = arith.index_cast %add3A_148 : i32 to index
        %get3A_664 = arith.constant 688 : index
        %get3A_665 = tpu.vector_load %arg6[%get3A_663, %get3A_664] {strides = array<i32>} : memref<112x1024xf32, #tpu.memory_space<vmem>>, vector<1x16xf32>,
        %get3A_666 = vector.shape_cast %get3A_665 : vector<1x16xf32> to vector<16xf32>
        %mul3A_667 = arith.constant 3.200000e+01 : f32
        %mul3A_668 = vector.broadcast %mul3A_667 : f32 to vector<16xf32>
        %mul3A_669 = arith.mulf %get3A_666, %mul3A_668 : vector<16xf32>
        %swap3A_670 = arith.index_cast %add3A_148 : i32 to index
        %swap3A_671 = arith.constant 688 : index
        %swap3A_672 = tpu.vector_load %arg6[%swap3A_670, %swap3A_671] {strides = array<i32>} : memref<112x1024xf32, #tpu.memory_space<vmem>>, vector<1x16xf32>,
        %swap3A_673 = vector.shape_cast %swap3A_672 : vector<1x16xf32> to vector<16xf32>
        %swap3A_674 = vector.shape_cast %mul3A_669 : vector<16xf32> to vector<1x16xf32>
        tpu.vector_store %arg6[%swap3A_670, %swap3A_671], %swap3A_674 {strides = array<i32>} : memref<112x1024xf32, #tpu.memory_space<vmem>>, vector<1x16xf32>,
        %get3A_675 = arith.index_cast %add3A_148 : i32 to index
        %get3A_676 = arith.constant 704 : index
        %get3A_677 = tpu.vector_load %arg6[%get3A_675, %get3A_676] {strides = array<i32>} : memref<112x1024xf32, #tpu.memory_space<vmem>>, vector<1x16xf32>,
        %get3A_678 = vector.shape_cast %get3A_677 : vector<1x16xf32> to vector<16xf32>
        %mul3A_679 = arith.constant 3.200000e+01 : f32
        %mul3A_680 = vector.broadcast %mul3A_679 : f32 to vector<16xf32>
        %mul3A_681 = arith.mulf %get3A_678, %mul3A_680 : vector<16xf32>
        %swap3A_682 = arith.index_cast %add3A_148 : i32 to index
        %swap3A_683 = arith.constant 704 : index
        %swap3A_684 = tpu.vector_load %arg6[%swap3A_682, %swap3A_683] {strides = array<i32>} : memref<112x1024xf32, #tpu.memory_space<vmem>>, vector<1x16xf32>,
        %swap3A_685 = vector.shape_cast %swap3A_684 : vector<1x16xf32> to vector<16xf32>
        %swap3A_686 = vector.shape_cast %mul3A_681 : vector<16xf32> to vector<1x16xf32>
        tpu.vector_store %arg6[%swap3A_682, %swap3A_683], %swap3A_686 {strides = array<i32>} : memref<112x1024xf32, #tpu.memory_space<vmem>>, vector<1x16xf32>,
        %get3A_687 = arith.index_cast %add3A_148 : i32 to index
        %get3A_688 = arith.constant 720 : index
        %get3A_689 = tpu.vector_load %arg6[%get3A_687, %get3A_688] {strides = array<i32>} : memref<112x1024xf32, #tpu.memory_space<vmem>>, vector<1x16xf32>,
        %get3A_690 = vector.shape_cast %get3A_689 : vector<1x16xf32> to vector<16xf32>
        %mul3A_691 = arith.constant 3.200000e+01 : f32
        %mul3A_692 = vector.broadcast %mul3A_691 : f32 to vector<16xf32>
        %mul3A_693 = arith.mulf %get3A_690, %mul3A_692 : vector<16xf32>
        %swap3A_694 = arith.index_cast %add3A_148 : i32 to index
        %swap3A_695 = arith.constant 720 : index
        %swap3A_696 = tpu.vector_load %arg6[%swap3A_694, %swap3A_695] {strides = array<i32>} : memref<112x1024xf32, #tpu.memory_space<vmem>>, vector<1x16xf32>,
        %swap3A_697 = vector.shape_cast %swap3A_696 : vector<1x16xf32> to vector<16xf32>
        %swap3A_698 = vector.shape_cast %mul3A_693 : vector<16xf32> to vector<1x16xf32>
        tpu.vector_store %arg6[%swap3A_694, %swap3A_695], %swap3A_698 {strides = array<i32>} : memref<112x1024xf32, #tpu.memory_space<vmem>>, vector<1x16xf32>,
        %get3A_699 = arith.index_cast %add3A_148 : i32 to index
        %get3A_700 = arith.constant 736 : index
        %get3A_701 = tpu.vector_load %arg6[%get3A_699, %get3A_700] {strides = array<i32>} : memref<112x1024xf32, #tpu.memory_space<vmem>>, vector<1x16xf32>,
        %get3A_702 = vector.shape_cast %get3A_701 : vector<1x16xf32> to vector<16xf32>
        %mul3A_703 = arith.constant 3.200000e+01 : f32
        %mul3A_704 = vector.broadcast %mul3A_703 : f32 to vector<16xf32>
        %mul3A_705 = arith.mulf %get3A_702, %mul3A_704 : vector<16xf32>
        %swap3A_706 = arith.index_cast %add3A_148 : i32 to index
        %swap3A_707 = arith.constant 736 : index
        %swap3A_708 = tpu.vector_load %arg6[%swap3A_706, %swap3A_707] {strides = array<i32>} : memref<112x1024xf32, #tpu.memory_space<vmem>>, vector<1x16xf32>,
        %swap3A_709 = vector.shape_cast %swap3A_708 : vector<1x16xf32> to vector<16xf32>
        %swap3A_710 = vector.shape_cast %mul3A_705 : vector<16xf32> to vector<1x16xf32>
        tpu.vector_store %arg6[%swap3A_706, %swap3A_707], %swap3A_710 {strides = array<i32>} : memref<112x1024xf32, #tpu.memory_space<vmem>>, vector<1x16xf32>,
        %get3A_711 = arith.index_cast %add3A_148 : i32 to index
        %get3A_712 = arith.constant 752 : index
        %get3A_713 = tpu.vector_load %arg6[%get3A_711, %get3A_712] {strides = array<i32>} : memref<112x1024xf32, #tpu.memory_space<vmem>>, vector<1x16xf32>,
        %get3A_714 = vector.shape_cast %get3A_713 : vector<1x16xf32> to vector<16xf32>
        %mul3A_715 = arith.constant 3.200000e+01 : f32
        %mul3A_716 = vector.broadcast %mul3A_715 : f32 to vector<16xf32>
        %mul3A_717 = arith.mulf %get3A_714, %mul3A_716 : vector<16xf32>
        %swap3A_718 = arith.index_cast %add3A_148 : i32 to index
        %swap3A_719 = arith.constant 752 : index
        %swap3A_720 = tpu.vector_load %arg6[%swap3A_718, %swap3A_719] {strides = array<i32>} : memref<112x1024xf32, #tpu.memory_space<vmem>>, vector<1x16xf32>,
        %swap3A_721 = vector.shape_cast %swap3A_720 : vector<1x16xf32> to vector<16xf32>
        %swap3A_722 = vector.shape_cast %mul3A_717 : vector<16xf32> to vector<1x16xf32>
        tpu.vector_store %arg6[%swap3A_718, %swap3A_719], %swap3A_722 {strides = array<i32>} : memref<112x1024xf32, #tpu.memory_space<vmem>>, vector<1x16xf32>,
        %get3A_723 = arith.index_cast %add3A_148 : i32 to index
        %get3A_724 = arith.constant 768 : index
        %get3A_725 = tpu.vector_load %arg6[%get3A_723, %get3A_724] {strides = array<i32>} : memref<112x1024xf32, #tpu.memory_space<vmem>>, vector<1x16xf32>,
        %get3A_726 = vector.shape_cast %get3A_725 : vector<1x16xf32> to vector<16xf32>
        %mul3A_727 = arith.constant 3.200000e+01 : f32
        %mul3A_728 = vector.broadcast %mul3A_727 : f32 to vector<16xf32>
        %mul3A_729 = arith.mulf %get3A_726, %mul3A_728 : vector<16xf32>
        %swap3A_730 = arith.index_cast %add3A_148 : i32 to index
        %swap3A_731 = arith.constant 768 : index
        %swap3A_732 = tpu.vector_load %arg6[%swap3A_730, %swap3A_731] {strides = array<i32>} : memref<112x1024xf32, #tpu.memory_space<vmem>>, vector<1x16xf32>,
        %swap3A_733 = vector.shape_cast %swap3A_732 : vector<1x16xf32> to vector<16xf32>
        %swap3A_734 = vector.shape_cast %mul3A_729 : vector<16xf32> to vector<1x16xf32>
        tpu.vector_store %arg6[%swap3A_730, %swap3A_731], %swap3A_734 {strides = array<i32>} : memref<112x1024xf32, #tpu.memory_space<vmem>>, vector<1x16xf32>,
        %get3A_735 = arith.index_cast %add3A_148 : i32 to index
        %get3A_736 = arith.constant 784 : index
        %get3A_737 = tpu.vector_load %arg6[%get3A_735, %get3A_736] {strides = array<i32>} : memref<112x1024xf32, #tpu.memory_space<vmem>>, vector<1x16xf32>,
        %get3A_738 = vector.shape_cast %get3A_737 : vector<1x16xf32> to vector<16xf32>
        %mul3A_739 = arith.constant 3.200000e+01 : f32
        %mul3A_740 = vector.broadcast %mul3A_739 : f32 to vector<16xf32>
        %mul3A_741 = arith.mulf %get3A_738, %mul3A_740 : vector<16xf32>
        %swap3A_742 = arith.index_cast %add3A_148 : i32 to index
        %swap3A_743 = arith.constant 784 : index
        %swap3A_744 = tpu.vector_load %arg6[%swap3A_742, %swap3A_743] {strides = array<i32>} : memref<112x1024xf32, #tpu.memory_space<vmem>>, vector<1x16xf32>,
        %swap3A_745 = vector.shape_cast %swap3A_744 : vector<1x16xf32> to vector<16xf32>
        %swap3A_746 = vector.shape_cast %mul3A_741 : vector<16xf32> to vector<1x16xf32>
        tpu.vector_store %arg6[%swap3A_742, %swap3A_743], %swap3A_746 {strides = array<i32>} : memref<112x1024xf32, #tpu.memory_space<vmem>>, vector<1x16xf32>,
        %get3A_747 = arith.index_cast %add3A_148 : i32 to index
        %get3A_748 = arith.constant 800 : index
        %get3A_749 = tpu.vector_load %arg6[%get3A_747, %get3A_748] {strides = array<i32>} : memref<112x1024xf32, #tpu.memory_space<vmem>>, vector<1x16xf32>,
        %get3A_750 = vector.shape_cast %get3A_749 : vector<1x16xf32> to vector<16xf32>
        %mul3A_751 = arith.constant 3.200000e+01 : f32
        %mul3A_752 = vector.broadcast %mul3A_751 : f32 to vector<16xf32>
        %mul3A_753 = arith.mulf %get3A_750, %mul3A_752 : vector<16xf32>
        %swap3A_754 = arith.index_cast %add3A_148 : i32 to index
        %swap3A_755 = arith.constant 800 : index
        %swap3A_756 = tpu.vector_load %arg6[%swap3A_754, %swap3A_755] {strides = array<i32>} : memref<112x1024xf32, #tpu.memory_space<vmem>>, vector<1x16xf32>,
        %swap3A_757 = vector.shape_cast %swap3A_756 : vector<1x16xf32> to vector<16xf32>
        %swap3A_758 = vector.shape_cast %mul3A_753 : vector<16xf32> to vector<1x16xf32>
        tpu.vector_store %arg6[%swap3A_754, %swap3A_755], %swap3A_758 {strides = array<i32>} : memref<112x1024xf32, #tpu.memory_space<vmem>>, vector<1x16xf32>,
        %get3A_759 = arith.index_cast %add3A_148 : i32 to index
        %get3A_760 = arith.constant 816 : index
        %get3A_761 = tpu.vector_load %arg6[%get3A_759, %get3A_760] {strides = array<i32>} : memref<112x1024xf32, #tpu.memory_space<vmem>>, vector<1x16xf32>,
        %get3A_762 = vector.shape_cast %get3A_761 : vector<1x16xf32> to vector<16xf32>
        %mul3A_763 = arith.constant 3.200000e+01 : f32
        %mul3A_764 = vector.broadcast %mul3A_763 : f32 to vector<16xf32>
        %mul3A_765 = arith.mulf %get3A_762, %mul3A_764 : vector<16xf32>
        %swap3A_766 = arith.index_cast %add3A_148 : i32 to index
        %swap3A_767 = arith.constant 816 : index
        %swap3A_768 = tpu.vector_load %arg6[%swap3A_766, %swap3A_767] {strides = array<i32>} : memref<112x1024xf32, #tpu.memory_space<vmem>>, vector<1x16xf32>,
        %swap3A_769 = vector.shape_cast %swap3A_768 : vector<1x16xf32> to vector<16xf32>
        %swap3A_770 = vector.shape_cast %mul3A_765 : vector<16xf32> to vector<1x16xf32>
        tpu.vector_store %arg6[%swap3A_766, %swap3A_767], %swap3A_770 {strides = array<i32>} : memref<112x1024xf32, #tpu.memory_space<vmem>>, vector<1x16xf32>,
        %get3A_771 = arith.index_cast %add3A_148 : i32 to index
        %get3A_772 = arith.constant 832 : index
        %get3A_773 = tpu.vector_load %arg6[%get3A_771, %get3A_772] {strides = array<i32>} : memref<112x1024xf32, #tpu.memory_space<vmem>>, vector<1x16xf32>,
        %get3A_774 = vector.shape_cast %get3A_773 : vector<1x16xf32> to vector<16xf32>
        %mul3A_775 = arith.constant 3.200000e+01 : f32
        %mul3A_776 = vector.broadcast %mul3A_775 : f32 to vector<16xf32>
        %mul3A_777 = arith.mulf %get3A_774, %mul3A_776 : vector<16xf32>
        %swap3A_778 = arith.index_cast %add3A_148 : i32 to index
        %swap3A_779 = arith.constant 832 : index
        %swap3A_780 = tpu.vector_load %arg6[%swap3A_778, %swap3A_779] {strides = array<i32>} : memref<112x1024xf32, #tpu.memory_space<vmem>>, vector<1x16xf32>,
        %swap3A_781 = vector.shape_cast %swap3A_780 : vector<1x16xf32> to vector<16xf32>
        %swap3A_782 = vector.shape_cast %mul3A_777 : vector<16xf32> to vector<1x16xf32>
        tpu.vector_store %arg6[%swap3A_778, %swap3A_779], %swap3A_782 {strides = array<i32>} : memref<112x1024xf32, #tpu.memory_space<vmem>>, vector<1x16xf32>,
        %get3A_783 = arith.index_cast %add3A_148 : i32 to index
        %get3A_784 = arith.constant 848 : index
        %get3A_785 = tpu.vector_load %arg6[%get3A_783, %get3A_784] {strides = array<i32>} : memref<112x1024xf32, #tpu.memory_space<vmem>>, vector<1x16xf32>,
        %get3A_786 = vector.shape_cast %get3A_785 : vector<1x16xf32> to vector<16xf32>
        %mul3A_787 = arith.constant 3.200000e+01 : f32
        %mul3A_788 = vector.broadcast %mul3A_787 : f32 to vector<16xf32>
        %mul3A_789 = arith.mulf %get3A_786, %mul3A_788 : vector<16xf32>
        %swap3A_790 = arith.index_cast %add3A_148 : i32 to index
        %swap3A_791 = arith.constant 848 : index
        %swap3A_792 = tpu.vector_load %arg6[%swap3A_790, %swap3A_791] {strides = array<i32>} : memref<112x1024xf32, #tpu.memory_space<vmem>>, vector<1x16xf32>,
        %swap3A_793 = vector.shape_cast %swap3A_792 : vector<1x16xf32> to vector<16xf32>
        %swap3A_794 = vector.shape_cast %mul3A_789 : vector<16xf32> to vector<1x16xf32>
        tpu.vector_store %arg6[%swap3A_790, %swap3A_791], %swap3A_794 {strides = array<i32>} : memref<112x1024xf32, #tpu.memory_space<vmem>>, vector<1x16xf32>,
        %get3A_795 = arith.index_cast %add3A_148 : i32 to index
        %get3A_796 = arith.constant 864 : index
        %get3A_797 = tpu.vector_load %arg6[%get3A_795, %get3A_796] {strides = array<i32>} : memref<112x1024xf32, #tpu.memory_space<vmem>>, vector<1x16xf32>,
        %get3A_798 = vector.shape_cast %get3A_797 : vector<1x16xf32> to vector<16xf32>
        %mul3A_799 = arith.constant 3.200000e+01 : f32
        %mul3A_800 = vector.broadcast %mul3A_799 : f32 to vector<16xf32>
        %mul3A_801 = arith.mulf %get3A_798, %mul3A_800 : vector<16xf32>
        %swap3A_802 = arith.index_cast %add3A_148 : i32 to index
        %swap3A_803 = arith.constant 864 : index
        %swap3A_804 = tpu.vector_load %arg6[%swap3A_802, %swap3A_803] {strides = array<i32>} : memref<112x1024xf32, #tpu.memory_space<vmem>>, vector<1x16xf32>,
        %swap3A_805 = vector.shape_cast %swap3A_804 : vector<1x16xf32> to vector<16xf32>
        %swap3A_806 = vector.shape_cast %mul3A_801 : vector<16xf32> to vector<1x16xf32>
        tpu.vector_store %arg6[%swap3A_802, %swap3A_803], %swap3A_806 {strides = array<i32>} : memref<112x1024xf32, #tpu.memory_space<vmem>>, vector<1x16xf32>,
        %get3A_807 = arith.index_cast %add3A_148 : i32 to index
        %get3A_808 = arith.constant 880 : index
        %get3A_809 = tpu.vector_load %arg6[%get3A_807, %get3A_808] {strides = array<i32>} : memref<112x1024xf32, #tpu.memory_space<vmem>>, vector<1x16xf32>,
        %get3A_810 = vector.shape_cast %get3A_809 : vector<1x16xf32> to vector<16xf32>
        %mul3A_811 = arith.constant 3.200000e+01 : f32
        %mul3A_812 = vector.broadcast %mul3A_811 : f32 to vector<16xf32>
        %mul3A_813 = arith.mulf %get3A_810, %mul3A_812 : vector<16xf32>
        %swap3A_814 = arith.index_cast %add3A_148 : i32 to index
        %swap3A_815 = arith.constant 880 : index
        %swap3A_816 = tpu.vector_load %arg6[%swap3A_814, %swap3A_815] {strides = array<i32>} : memref<112x1024xf32, #tpu.memory_space<vmem>>, vector<1x16xf32>,
        %swap3A_817 = vector.shape_cast %swap3A_816 : vector<1x16xf32> to vector<16xf32>
        %swap3A_818 = vector.shape_cast %mul3A_813 : vector<16xf32> to vector<1x16xf32>
        tpu.vector_store %arg6[%swap3A_814, %swap3A_815], %swap3A_818 {strides = array<i32>} : memref<112x1024xf32, #tpu.memory_space<vmem>>, vector<1x16xf32>,
        %get3A_819 = arith.index_cast %add3A_148 : i32 to index
        %get3A_820 = arith.constant 896 : index
        %get3A_821 = tpu.vector_load %arg6[%get3A_819, %get3A_820] {strides = array<i32>} : memref<112x1024xf32, #tpu.memory_space<vmem>>, vector<1x16xf32>,
        %get3A_822 = vector.shape_cast %get3A_821 : vector<1x16xf32> to vector<16xf32>
        %mul3A_823 = arith.constant 3.200000e+01 : f32
        %mul3A_824 = vector.broadcast %mul3A_823 : f32 to vector<16xf32>
        %mul3A_825 = arith.mulf %get3A_822, %mul3A_824 : vector<16xf32>
        %swap3A_826 = arith.index_cast %add3A_148 : i32 to index
        %swap3A_827 = arith.constant 896 : index
        %swap3A_828 = tpu.vector_load %arg6[%swap3A_826, %swap3A_827] {strides = array<i32>} : memref<112x1024xf32, #tpu.memory_space<vmem>>, vector<1x16xf32>,
        %swap3A_829 = vector.shape_cast %swap3A_828 : vector<1x16xf32> to vector<16xf32>
        %swap3A_830 = vector.shape_cast %mul3A_825 : vector<16xf32> to vector<1x16xf32>
        tpu.vector_store %arg6[%swap3A_826, %swap3A_827], %swap3A_830 {strides = array<i32>} : memref<112x1024xf32, #tpu.memory_space<vmem>>, vector<1x16xf32>,
        %get3A_831 = arith.index_cast %add3A_148 : i32 to index
        %get3A_832 = arith.constant 912 : index
        %get3A_833 = tpu.vector_load %arg6[%get3A_831, %get3A_832] {strides = array<i32>} : memref<112x1024xf32, #tpu.memory_space<vmem>>, vector<1x16xf32>,
        %get3A_834 = vector.shape_cast %get3A_833 : vector<1x16xf32> to vector<16xf32>
        %mul3A_835 = arith.constant 3.200000e+01 : f32
        %mul3A_836 = vector.broadcast %mul3A_835 : f32 to vector<16xf32>
        %mul3A_837 = arith.mulf %get3A_834, %mul3A_836 : vector<16xf32>
        %swap3A_838 = arith.index_cast %add3A_148 : i32 to index
        %swap3A_839 = arith.constant 912 : index
        %swap3A_840 = tpu.vector_load %arg6[%swap3A_838, %swap3A_839] {strides = array<i32>} : memref<112x1024xf32, #tpu.memory_space<vmem>>, vector<1x16xf32>,
        %swap3A_841 = vector.shape_cast %swap3A_840 : vector<1x16xf32> to vector<16xf32>
        %swap3A_842 = vector.shape_cast %mul3A_837 : vector<16xf32> to vector<1x16xf32>
        tpu.vector_store %arg6[%swap3A_838, %swap3A_839], %swap3A_842 {strides = array<i32>} : memref<112x1024xf32, #tpu.memory_space<vmem>>, vector<1x16xf32>,
        %get3A_843 = arith.index_cast %add3A_148 : i32 to index
        %get3A_844 = arith.constant 928 : index
        %get3A_845 = tpu.vector_load %arg6[%get3A_843, %get3A_844] {strides = array<i32>} : memref<112x1024xf32, #tpu.memory_space<vmem>>, vector<1x16xf32>,
        %get3A_846 = vector.shape_cast %get3A_845 : vector<1x16xf32> to vector<16xf32>
        %mul3A_847 = arith.constant 3.200000e+01 : f32
        %mul3A_848 = vector.broadcast %mul3A_847 : f32 to vector<16xf32>
        %mul3A_849 = arith.mulf %get3A_846, %mul3A_848 : vector<16xf32>
        %swap3A_850 = arith.index_cast %add3A_148 : i32 to index
        %swap3A_851 = arith.constant 928 : index
        %swap3A_852 = tpu.vector_load %arg6[%swap3A_850, %swap3A_851] {strides = array<i32>} : memref<112x1024xf32, #tpu.memory_space<vmem>>, vector<1x16xf32>,
        %swap3A_853 = vector.shape_cast %swap3A_852 : vector<1x16xf32> to vector<16xf32>
        %swap3A_854 = vector.shape_cast %mul3A_849 : vector<16xf32> to vector<1x16xf32>
        tpu.vector_store %arg6[%swap3A_850, %swap3A_851], %swap3A_854 {strides = array<i32>} : memref<112x1024xf32, #tpu.memory_space<vmem>>, vector<1x16xf32>,
        %get3A_855 = arith.index_cast %add3A_148 : i32 to index
        %get3A_856 = arith.constant 944 : index
        %get3A_857 = tpu.vector_load %arg6[%get3A_855, %get3A_856] {strides = array<i32>} : memref<112x1024xf32, #tpu.memory_space<vmem>>, vector<1x16xf32>,
        %get3A_858 = vector.shape_cast %get3A_857 : vector<1x16xf32> to vector<16xf32>
        %mul3A_859 = arith.constant 3.200000e+01 : f32
        %mul3A_860 = vector.broadcast %mul3A_859 : f32 to vector<16xf32>
        %mul3A_861 = arith.mulf %get3A_858, %mul3A_860 : vector<16xf32>
        %swap3A_862 = arith.index_cast %add3A_148 : i32 to index
        %swap3A_863 = arith.constant 944 : index
        %swap3A_864 = tpu.vector_load %arg6[%swap3A_862, %swap3A_863] {strides = array<i32>} : memref<112x1024xf32, #tpu.memory_space<vmem>>, vector<1x16xf32>,
        %swap3A_865 = vector.shape_cast %swap3A_864 : vector<1x16xf32> to vector<16xf32>
        %swap3A_866 = vector.shape_cast %mul3A_861 : vector<16xf32> to vector<1x16xf32>
        tpu.vector_store %arg6[%swap3A_862, %swap3A_863], %swap3A_866 {strides = array<i32>} : memref<112x1024xf32, #tpu.memory_space<vmem>>, vector<1x16xf32>,
        %get3A_867 = arith.index_cast %add3A_148 : i32 to index
        %get3A_868 = arith.constant 960 : index
        %get3A_869 = tpu.vector_load %arg6[%get3A_867, %get3A_868] {strides = array<i32>} : memref<112x1024xf32, #tpu.memory_space<vmem>>, vector<1x16xf32>,
        %get3A_870 = vector.shape_cast %get3A_869 : vector<1x16xf32> to vector<16xf32>
        %mul3A_871 = arith.constant 3.200000e+01 : f32
        %mul3A_872 = vector.broadcast %mul3A_871 : f32 to vector<16xf32>
        %mul3A_873 = arith.mulf %get3A_870, %mul3A_872 : vector<16xf32>
        %swap3A_874 = arith.index_cast %add3A_148 : i32 to index
        %swap3A_875 = arith.constant 960 : index
        %swap3A_876 = tpu.vector_load %arg6[%swap3A_874, %swap3A_875] {strides = array<i32>} : memref<112x1024xf32, #tpu.memory_space<vmem>>, vector<1x16xf32>,
        %swap3A_877 = vector.shape_cast %swap3A_876 : vector<1x16xf32> to vector<16xf32>
        %swap3A_878 = vector.shape_cast %mul3A_873 : vector<16xf32> to vector<1x16xf32>
        tpu.vector_store %arg6[%swap3A_874, %swap3A_875], %swap3A_878 {strides = array<i32>} : memref<112x1024xf32, #tpu.memory_space<vmem>>, vector<1x16xf32>,
        %get3A_879 = arith.index_cast %add3A_148 : i32 to index
        %get3A_880 = arith.constant 976 : index
        %get3A_881 = tpu.vector_load %arg6[%get3A_879, %get3A_880] {strides = array<i32>} : memref<112x1024xf32, #tpu.memory_space<vmem>>, vector<1x16xf32>,
        %get3A_882 = vector.shape_cast %get3A_881 : vector<1x16xf32> to vector<16xf32>
        %mul3A_883 = arith.constant 3.200000e+01 : f32
        %mul3A_884 = vector.broadcast %mul3A_883 : f32 to vector<16xf32>
        %mul3A_885 = arith.mulf %get3A_882, %mul3A_884 : vector<16xf32>
        %swap3A_886 = arith.index_cast %add3A_148 : i32 to index
        %swap3A_887 = arith.constant 976 : index
        %swap3A_888 = tpu.vector_load %arg6[%swap3A_886, %swap3A_887] {strides = array<i32>} : memref<112x1024xf32, #tpu.memory_space<vmem>>, vector<1x16xf32>,
        %swap3A_889 = vector.shape_cast %swap3A_888 : vector<1x16xf32> to vector<16xf32>
        %swap3A_890 = vector.shape_cast %mul3A_885 : vector<16xf32> to vector<1x16xf32>
        tpu.vector_store %arg6[%swap3A_886, %swap3A_887], %swap3A_890 {strides = array<i32>} : memref<112x1024xf32, #tpu.memory_space<vmem>>, vector<1x16xf32>,
        %get3A_891 = arith.index_cast %add3A_148 : i32 to index
        %get3A_892 = arith.constant 992 : index
        %get3A_893 = tpu.vector_load %arg6[%get3A_891, %get3A_892] {strides = array<i32>} : memref<112x1024xf32, #tpu.memory_space<vmem>>, vector<1x16xf32>,
        %get3A_894 = vector.shape_cast %get3A_893 : vector<1x16xf32> to vector<16xf32>
        %mul3A_895 = arith.constant 3.200000e+01 : f32
        %mul3A_896 = vector.broadcast %mul3A_895 : f32 to vector<16xf32>
        %mul3A_897 = arith.mulf %get3A_894, %mul3A_896 : vector<16xf32>
        %swap3A_898 = arith.index_cast %add3A_148 : i32 to index
        %swap3A_899 = arith.constant 992 : index
        %swap3A_900 = tpu.vector_load %arg6[%swap3A_898, %swap3A_899] {strides = array<i32>} : memref<112x1024xf32, #tpu.memory_space<vmem>>, vector<1x16xf32>,
        %swap3A_901 = vector.shape_cast %swap3A_900 : vector<1x16xf32> to vector<16xf32>
        %swap3A_902 = vector.shape_cast %mul3A_897 : vector<16xf32> to vector<1x16xf32>
        tpu.vector_store %arg6[%swap3A_898, %swap3A_899], %swap3A_902 {strides = array<i32>} : memref<112x1024xf32, #tpu.memory_space<vmem>>, vector<1x16xf32>,
        %get3A_903 = arith.index_cast %add3A_148 : i32 to index
        %get3A_904 = arith.constant 1008 : index
        %get3A_905 = tpu.vector_load %arg6[%get3A_903, %get3A_904] {strides = array<i32>} : memref<112x1024xf32, #tpu.memory_space<vmem>>, vector<1x16xf32>,
        %get3A_906 = vector.shape_cast %get3A_905 : vector<1x16xf32> to vector<16xf32>
        %mul3A_907 = arith.constant 3.200000e+01 : f32
        %mul3A_908 = vector.broadcast %mul3A_907 : f32 to vector<16xf32>
        %mul3A_909 = arith.mulf %get3A_906, %mul3A_908 : vector<16xf32>
        %swap3A_910 = arith.index_cast %add3A_148 : i32 to index
        %swap3A_911 = arith.constant 1008 : index
        %swap3A_912 = tpu.vector_load %arg6[%swap3A_910, %swap3A_911] {strides = array<i32>} : memref<112x1024xf32, #tpu.memory_space<vmem>>, vector<1x16xf32>,
        %swap3A_913 = vector.shape_cast %swap3A_912 : vector<1x16xf32> to vector<16xf32>
        %swap3A_914 = vector.shape_cast %mul3A_909 : vector<16xf32> to vector<1x16xf32>
        tpu.vector_store %arg6[%swap3A_910, %swap3A_911], %swap3A_914 {strides = array<i32>} : memref<112x1024xf32, #tpu.memory_space<vmem>>, vector<1x16xf32>,
      }
      %scan3A_121 = arith.constant 16 : i32
      %rem3A_122 = arith.constant 7 : i32
      %rem3A_123 = arith.remsi %scan3A_101, %rem3A_122 : i32
      %mul3A_124 = arith.constant 16 : i32
      %mul3A_125 = arith.muli %rem3A_123, %mul3A_124 : i32
      %mul3A_126 = arith.constant 16 : i32
      %mul3A_127 = arith.muli %scan3A_101, %mul3A_126 : i32
      %add3A_128 = arith.addi %mul3A_2, %mul3A_127 : i32
      %dma_start3A_129 = arith.constant 0 : i32
      %dma_start3A_130 = tpu.memref_slice %arg6[%mul3A_125, %dma_start3A_129] : memref<112x1024xf32, #tpu.memory_space<vmem>> -> memref<16x1024xf32, #tpu.memory_space<vmem>>
      %dma_start3A_131 = arith.constant 0 : i32
      %dma_start3A_132 = tpu.memref_slice %arg4[%add3A_128, %dma_start3A_131] : memref<32768x1024xf32, #tpu.memory_space<hbm>> -> memref<16x1024xf32, #tpu.memory_space<hbm>>
      %dma_start3A_133 = arith.constant 0 : i32
      %dma_start3A_134 = tpu.memref_slice %arg4[%add3A_128, %dma_start3A_133] : memref<32768x1024xf32, #tpu.memory_space<hbm>> -> memref<16x1024xf32, #tpu.memory_space<hbm>>
      %dma_start3A_135 = arith.constant 0 : i32
      %dma_start3A_136 = tpu.memref_slice %arg6[%mul3A_125, %dma_start3A_135] : memref<112x1024xf32, #tpu.memory_space<vmem>> -> memref<16x1024xf32, #tpu.memory_space<vmem>>
      tpu.enqueue_dma source(%dma_start3A_136 : memref<16x1024xf32, #tpu.memory_space<vmem>>) target(%dma_start3A_134 : memref<16x1024xf32, #tpu.memory_space<hbm>>) target_semaphore(%arg8 : memref<!tpu.dma_semaphore, #tpu.memory_space<semaphore_mem>>)
      %ge3A = arith.constant 4 : i32
      %ge3A_137 = arith.cmpi sge, %scan3A_101, %ge3A : i32
      %convert_element_type3A = arith.extui %ge3A_137 : i1 to i32
      %cond3A = arith.constant 0 : i32
      %cond3A_138 = arith.cmpi ne, %convert_element_type3A, %cond3A : i32
      scf.if %cond3A_138 {
        %sub3A = arith.constant 4 : i32
        %sub3A_145 = arith.subi %scan3A_101, %sub3A : i32
        %rem3A_146 = arith.constant 7 : i32
        %rem3A_147 = arith.remsi %sub3A_145, %rem3A_146 : i32
        %mul3A_148 = arith.constant 16 : i32
        %mul3A_149 = arith.muli %rem3A_147, %mul3A_148 : i32
        %mul3A_150 = arith.constant 16 : i32
        %mul3A_151 = arith.muli %sub3A_145, %mul3A_150 : i32
        %add3A_152 = arith.addi %mul3A_2, %mul3A_151 : i32
        %dma_wait3A_153 = arith.constant 0 : i32
        %dma_wait3A_154 = tpu.memref_slice %arg6[%mul3A_149, %dma_wait3A_153] : memref<112x1024xf32, #tpu.memory_space<vmem>> -> memref<16x1024xf32, #tpu.memory_space<vmem>>
        %dma_wait3A_155 = arith.constant 0 : i32
        %dma_wait3A_156 = tpu.memref_slice %arg4[%add3A_152, %dma_wait3A_155] : memref<32768x1024xf32, #tpu.memory_space<hbm>> -> memref<16x1024xf32, #tpu.memory_space<hbm>>
        %dma_wait3A_157 = arith.constant 0 : i32
        %dma_wait3A_158 = tpu.memref_slice %arg4[%add3A_152, %dma_wait3A_157] : memref<32768x1024xf32, #tpu.memory_space<hbm>> -> memref<16x1024xf32, #tpu.memory_space<hbm>>
        %dma_wait3A_159 = arith.constant 0 : i32
        %dma_wait3A_160 = tpu.memref_slice %arg6[%mul3A_149, %dma_wait3A_159] : memref<112x1024xf32, #tpu.memory_space<vmem>> -> memref<16x1024xf32, #tpu.memory_space<vmem>>
        tpu.wait_dma2 semaphore(%arg8 : memref<!tpu.dma_semaphore, #tpu.memory_space<semaphore_mem>>) src(%dma_wait3A_160 : memref<16x1024xf32, #tpu.memory_space<vmem>>) dst(%dma_wait3A_158 : memref<16x1024xf32, #tpu.memory_space<hbm>>)
      } else {
      }
      %add3A_139 = arith.constant 3 : i32
      %add3A_140 = arith.addi %scan3A_101, %add3A_139 : i32
      %lt3A = arith.constant 64 : i32
      %lt3A_141 = arith.cmpi slt, %add3A_140, %lt3A : i32
      %convert_element_type3A_142 = arith.extui %lt3A_141 : i1 to i32
      %cond3A_143 = arith.constant 0 : i32
      %cond3A_144 = arith.cmpi ne, %convert_element_type3A_142, %cond3A_143 : i32
      scf.if %cond3A_144 {
        %add3A_145 = arith.constant 3 : i32
        %add3A_146 = arith.addi %scan3A_101, %add3A_145 : i32
        %rem3A_147 = arith.constant 7 : i32
        %rem3A_148 = arith.remsi %add3A_146, %rem3A_147 : i32
        %mul3A_149 = arith.constant 16 : i32
        %mul3A_150 = arith.muli %add3A_146, %mul3A_149 : i32
        %mul3A_151 = arith.constant 16 : i32
        %mul3A_152 = arith.muli %rem3A_148, %mul3A_151 : i32
        %dma_start3A_153 = arith.constant 0 : i32
        %dma_start3A_154 = tpu.memref_slice %arg6[%mul3A_152, %dma_start3A_153] : memref<112x1024xf32, #tpu.memory_space<vmem>> -> memref<16x1024xf32, #tpu.memory_space<vmem>>
        %dma_start3A_155 = tpu.memref_slice %arg5[%mul3A_150] : memref<1024xi32, #tpu.memory_space<vmem>> -> memref<16xi32, #tpu.memory_space<vmem>>
        %dma_start3A_156 = arith.constant 0 : i32
        %dma_start3A_157 = arith.constant 0 : i32
        %dma_start3A_158 = tpu.memref_slice %arg3[%dma_start3A_156, %dma_start3A_157] : memref<100000x1024xf32, #tpu.memory_space<hbm>> -> memref<100000x1024xf32, #tpu.memory_space<hbm>>
        tpu.enqueue_indirect_dma source(%dma_start3A_158 : memref<100000x1024xf32, #tpu.memory_space<hbm>>) target(%dma_start3A_154 : memref<16x1024xf32, #tpu.memory_space<vmem>>) offsets(%dma_start3A_155 : memref<16xi32, #tpu.memory_space<vmem>>) semaphore(%arg7 : memref<!tpu.dma_semaphore, #tpu.memory_space<semaphore_mem>>)
      } else {
      }
    }
    %scan3A_41 = arith.constant 64 : i32
    %rem3A_42 = arith.constant 60 : i32
    %rem3A_43 = arith.constant 7 : i32
    %rem3A_44 = arith.remsi %rem3A_42, %rem3A_43 : i32
    %mul3A_45 = arith.constant 16 : i32
    %mul3A_46 = arith.muli %rem3A_44, %mul3A_45 : i32
    %add3A_47 = arith.constant 960 : i32
    %add3A_48 = arith.addi %mul3A_2, %add3A_47 : i32
    %dma_wait3A = arith.constant 0 : i32
    %dma_wait3A_49 = tpu.memref_slice %arg6[%mul3A_46, %dma_wait3A] : memref<112x1024xf32, #tpu.memory_space<vmem>> -> memref<16x1024xf32, #tpu.memory_space<vmem>>
    %dma_wait3A_50 = arith.constant 0 : i32
    %dma_wait3A_51 = tpu.memref_slice %arg4[%add3A_48, %dma_wait3A_50] : memref<32768x1024xf32, #tpu.memory_space<hbm>> -> memref<16x1024xf32, #tpu.memory_space<hbm>>
    %dma_wait3A_52 = arith.constant 0 : i32
    %dma_wait3A_53 = tpu.memref_slice %arg4[%add3A_48, %dma_wait3A_52] : memref<32768x1024xf32, #tpu.memory_space<hbm>> -> memref<16x1024xf32, #tpu.memory_space<hbm>>
    %dma_wait3A_54 = arith.constant 0 : i32
    %dma_wait3A_55 = tpu.memref_slice %arg6[%mul3A_46, %dma_wait3A_54] : memref<112x1024xf32, #tpu.memory_space<vmem>> -> memref<16x1024xf32, #tpu.memory_space<vmem>>
    tpu.wait_dma2 semaphore(%arg8 : memref<!tpu.dma_semaphore, #tpu.memory_space<semaphore_mem>>) src(%dma_wait3A_55 : memref<16x1024xf32, #tpu.memory_space<vmem>>) dst(%dma_wait3A_53 : memref<16x1024xf32, #tpu.memory_space<hbm>>)
    %rem3A_56 = arith.constant 61 : i32
    %rem3A_57 = arith.constant 7 : i32
    %rem3A_58 = arith.remsi %rem3A_56, %rem3A_57 : i32
    %mul3A_59 = arith.constant 16 : i32
    %mul3A_60 = arith.muli %rem3A_58, %mul3A_59 : i32
    %add3A_61 = arith.constant 976 : i32
    %add3A_62 = arith.addi %mul3A_2, %add3A_61 : i32
    %dma_wait3A_63 = arith.constant 0 : i32
    %dma_wait3A_64 = tpu.memref_slice %arg6[%mul3A_60, %dma_wait3A_63] : memref<112x1024xf32, #tpu.memory_space<vmem>> -> memref<16x1024xf32, #tpu.memory_space<vmem>>
    %dma_wait3A_65 = arith.constant 0 : i32
    %dma_wait3A_66 = tpu.memref_slice %arg4[%add3A_62, %dma_wait3A_65] : memref<32768x1024xf32, #tpu.memory_space<hbm>> -> memref<16x1024xf32, #tpu.memory_space<hbm>>
    %dma_wait3A_67 = arith.constant 0 : i32
    %dma_wait3A_68 = tpu.memref_slice %arg4[%add3A_62, %dma_wait3A_67] : memref<32768x1024xf32, #tpu.memory_space<hbm>> -> memref<16x1024xf32, #tpu.memory_space<hbm>>
    %dma_wait3A_69 = arith.constant 0 : i32
    %dma_wait3A_70 = tpu.memref_slice %arg6[%mul3A_60, %dma_wait3A_69] : memref<112x1024xf32, #tpu.memory_space<vmem>> -> memref<16x1024xf32, #tpu.memory_space<vmem>>
    tpu.wait_dma2 semaphore(%arg8 : memref<!tpu.dma_semaphore, #tpu.memory_space<semaphore_mem>>) src(%dma_wait3A_70 : memref<16x1024xf32, #tpu.memory_space<vmem>>) dst(%dma_wait3A_68 : memref<16x1024xf32, #tpu.memory_space<hbm>>)
    %rem3A_71 = arith.constant 62 : i32
    %rem3A_72 = arith.constant 7 : i32
    %rem3A_73 = arith.remsi %rem3A_71, %rem3A_72 : i32
    %mul3A_74 = arith.constant 16 : i32
    %mul3A_75 = arith.muli %rem3A_73, %mul3A_74 : i32
    %add3A_76 = arith.constant 992 : i32
    %add3A_77 = arith.addi %mul3A_2, %add3A_76 : i32
    %dma_wait3A_78 = arith.constant 0 : i32
    %dma_wait3A_79 = tpu.memref_slice %arg6[%mul3A_75, %dma_wait3A_78] : memref<112x1024xf32, #tpu.memory_space<vmem>> -> memref<16x1024xf32, #tpu.memory_space<vmem>>
    %dma_wait3A_80 = arith.constant 0 : i32
    %dma_wait3A_81 = tpu.memref_slice %arg4[%add3A_77, %dma_wait3A_80] : memref<32768x1024xf32, #tpu.memory_space<hbm>> -> memref<16x1024xf32, #tpu.memory_space<hbm>>
    %dma_wait3A_82 = arith.constant 0 : i32
    %dma_wait3A_83 = tpu.memref_slice %arg4[%add3A_77, %dma_wait3A_82] : memref<32768x1024xf32, #tpu.memory_space<hbm>> -> memref<16x1024xf32, #tpu.memory_space<hbm>>
    %dma_wait3A_84 = arith.constant 0 : i32
    %dma_wait3A_85 = tpu.memref_slice %arg6[%mul3A_75, %dma_wait3A_84] : memref<112x1024xf32, #tpu.memory_space<vmem>> -> memref<16x1024xf32, #tpu.memory_space<vmem>>
    tpu.wait_dma2 semaphore(%arg8 : memref<!tpu.dma_semaphore, #tpu.memory_space<semaphore_mem>>) src(%dma_wait3A_85 : memref<16x1024xf32, #tpu.memory_space<vmem>>) dst(%dma_wait3A_83 : memref<16x1024xf32, #tpu.memory_space<hbm>>)
    %rem3A_86 = arith.constant 63 : i32
    %rem3A_87 = arith.constant 7 : i32
    %rem3A_88 = arith.remsi %rem3A_86, %rem3A_87 : i32
    %mul3A_89 = arith.constant 16 : i32
    %mul3A_90 = arith.muli %rem3A_88, %mul3A_89 : i32
    %add3A_91 = arith.constant 1008 : i32
    %add3A_92 = arith.addi %mul3A_2, %add3A_91 : i32
    %dma_wait3A_93 = arith.constant 0 : i32
    %dma_wait3A_94 = tpu.memref_slice %arg6[%mul3A_90, %dma_wait3A_93] : memref<112x1024xf32, #tpu.memory_space<vmem>> -> memref<16x1024xf32, #tpu.memory_space<vmem>>
    %dma_wait3A_95 = arith.constant 0 : i32
    %dma_wait3A_96 = tpu.memref_slice %arg4[%add3A_92, %dma_wait3A_95] : memref<32768x1024xf32, #tpu.memory_space<hbm>> -> memref<16x1024xf32, #tpu.memory_space<hbm>>
    %dma_wait3A_97 = arith.constant 0 : i32
    %dma_wait3A_98 = tpu.memref_slice %arg4[%add3A_92, %dma_wait3A_97] : memref<32768x1024xf32, #tpu.memory_space<hbm>> -> memref<16x1024xf32, #tpu.memory_space<hbm>>
    %dma_wait3A_99 = arith.constant 0 : i32
    %dma_wait3A_100 = tpu.memref_slice %arg6[%mul3A_90, %dma_wait3A_99] : memref<112x1024xf32, #tpu.memory_space<vmem>> -> memref<16x1024xf32, #tpu.memory_space<vmem>>
    tpu.wait_dma2 semaphore(%arg8 : memref<!tpu.dma_semaphore, #tpu.memory_space<semaphore_mem>>) src(%dma_wait3A_100 : memref<16x1024xf32, #tpu.memory_space<vmem>>) dst(%dma_wait3A_98 : memref<16x1024xf32, #tpu.memory_space<hbm>>)
    return
  }
}

</mosaic_0001>

<sc_bundles>
// kernel: kernel.3.cloned.1.call-start
scs
__scs_entry_jumppad:
0x0: {  	(pc) =	sbr.rel $0x88, $3  }
0x1: {  	(tag) =	ssettag $0x0;
	lr =	simm.s32 $0x1  }
0x2: {  	[smem:$0x3F9F] =	sst lr;
	_ =	strace $0xD0000000  }
0x3: {  	_ = 	snop  }
0x4: {  	_ = 	snop  }
0x5: {  	_ = 	snop  }
0x6: {  	_ = 	snop  }
0x7: {  	_ = 	snop  }
__scs_overlays_trampoline_lowered:
0x8: {  	[smem:$0x3FAE] =	sst s0  }
0x9: {  	[smem:$0x3FAF] =	sst s1  }
0xa: {  	[smem:$0x3FB0] =	sst s2  }
0xb: {  	[smem:$0x3FB1] =	sst s3  }
0xc: {  	[smem:$0x3FB2] =	sst s4  }
0xd: {  	[smem:$0x3FB3] =	sst s5  }
0xe: {  	[smem:$0x3FB4] =	sst s6  }
0xf: {  	[smem:$0x3FB5] =	sst s7  }
0x10: {  	[smem:$0x3FB6] =	sst s8  }
0x11: {  	[smem:$0x3FB7] =	sst s9;
	s0 =	simm.s32 @!p0 $0x0  }
0x12: {  	s1 =	sld [smem:$0x3F9D];
	s0 =	simm.s32 @p0 $0x1  }
0x13: {  	[smem:$0x3FB8] =	sst s0;
	s0 =	simm.s32 @!p1 $0x0  }
0x14: {  	s2 =	sld [smem:$0x3F9C];
	s0 =	simm.s32 @p1 $0x1  }
0x15: {  	[smem:$0x3FB9] =	sst s0;
	s0 =	simm.s32 @!p2 $0x0  }
0x16: {  	s3 =	sld [smem:$0x3FDB];
	s0 =	simm.s32 @p2 $0x1  }
0x17: {  	s4 =	simm.s32 $0x1BF5;
	[smem:$0x3FBB] =	sst s0  }
0x18: {  	s0 =	sld [smem:$0x3F9E];
	_ =	swait.ge [sflag:s4], $0x0  }
0x19: {  	s7 =	sld [smem:$0x3F9F]  }
0x1a: {  	s8 =	sadd.s32 $0xFFFFE003, lr  }
0x1b: {  	s9 =	sadd.s32 $0xFFFFFEF7, lr;
	s5 =	simm.s32 $0xFFFFFFFF;
	p2 =	slt.u32 s8, $0xFFFFF086  }
0x1c: {  	p1 =	slt.u32 s9, $0xF7A;
	s5 =	simm.s32 @!p2 $0x0  }
0x1d: {  	s5 =	simm.s32 @p1 $0x1;
	p0 =	seq.s32 s7, s2  }
0x1e: {  	s7 =	smul.u32 @!p0 $0xF7A, s2;
	p2 =	seq.s32 @!p0 s5, $0x0  }
0x1f: {  	s9 =	smul.u32 $0xF7A, s1;
	s8 =	simm.s32 @!p0 $0x1BF5;
	p2 =	por !p2, p0  }
0x20: {  	[sflag:s8] =	ssyncset.s32 @!p0 $0xFFFFF086;
	s6 =	sadd.s32 @!p0 s3, s7;
	s7 =	simm.s32 @!p0 $0x108  }
0x21: {  	s3 =	sadd.s32 s3, s9;
	s6 =	sadd.s32 @!p0 $0x88, s6;
	s7 =	simm.s32 @p2 $0x1082  }
0x22: {  	[simem:s7], [sflag:s8] =	dma.local @!p0 [hbm:s6], $0xF7A  }
0x23: {  	s9 =	sor.u32 $0xD0000000, s2;
	s6 =	simm.s32 $0x108;
	_ =	swait.ge @!p0 [sflag:s8], $0x0  }
0x24: {  	s3 =	sadd.s32 $0x88, s3;
	s6 =	simm.s32 @!p1 $0x1082;
	[sflag:s4] =	ssyncset.s32 $0xFFFFF086  }
0x25: {  	[simem:s6], [sflag:s4] =	dma.local [hbm:s3], $0xF7A  }
0x26: {  	[smem:$0x3F9F] =	sst s1;
	(tag) =	ssettag s2;
	_ =	strace s9  }
0x27: {  	s1 =	sld [smem:$0x3FAF]  }
0x28: {  	s2 =	sld [smem:$0x3FB0]  }
0x29: {  	s4 =	sld [smem:$0x3FB2]  }
0x2a: {  	p0 =	seq.s32 s5, $0x0;
	s5 =	sld [smem:$0x3FB3]  }
0x2b: {  	s6 =	sld [smem:$0x3FB4]  }
0x2c: {  	s7 =	sld [smem:$0x3FB5]  }
0x2d: {  	s3 =	simm.s32 $0x108;
	s8 =	sld [smem:$0x3FB6]  }
0x2e: {  	s3 =	simm.s32 @!p0 $0x1082;
	s9 =	sld [smem:$0x3FB7]  }
0x2f: {  	lr =	sadd.s32 s0, s3;
	s0 =	sld [smem:$0x3FAE]  }
0x30: {  	s3 =	sld [smem:$0x3FB1]  }
0x31: {  	[smem:$0x3FBA] =	sst s10  }
0x32: {  	s10 =	sld [smem:$0x3FB8];
	_ =	sdelay $0x3  }
0x33: {  	p0 =	seq.s32 s10, $0x1;
	s10 =	sld [smem:$0x3FBA];
	_ =	sdelay $0x3  }
0x34: {  	[smem:$0x3FBA] =	sst s10  }
0x35: {  	s10 =	sld [smem:$0x3FB9];
	_ =	sdelay $0x3  }
0x36: {  	p1 =	seq.s32 s10, $0x1;
	s10 =	sld [smem:$0x3FBA];
	_ =	sdelay $0x3  }
0x37: {  	[smem:$0x3FBA] =	sst s10  }
0x38: {  	s10 =	sld [smem:$0x3FBB]  }
0x39: {  	_ = 	snop;
	(pc) =	sbr.ind lr, $3  }
0x3a: {  	_ = 	snop  }
0x3b: {  	_ = 	snop  }
0x3c: {  	p2 =	seq.s32 s10, $0x1;
	s10 =	sld [smem:$0x3FBA]  }
0x3d: {  	_ =	shalt  }
0x3e: {  	_ =	shalt  }
0x3f: {  	_ =	shalt  }
0x40: {  	_ =	shalt  }
0x41: {  	_ =	shalt  }
0x42: {  	_ =	shalt  }
0x43: {  	_ =	shalt  }
0x44: {  	_ =	shalt  }
0x45: {  	_ =	shalt  }
0x46: {  	_ =	shalt  }
0x47: {  	_ =	shalt  }
0x48: {  	_ =	shalt  }
0x49: {  	_ =	shalt  }
0x4a: {  	_ =	shalt  }
0x4b: {  	_ =	shalt  }
0x4c: {  	_ =	shalt  }
0x4d: {  	_ =	shalt  }
0x4e: {  	_ =	shalt  }
0x4f: {  	_ =	shalt  }
0x50: {  	_ =	shalt  }
0x51: {  	_ =	shalt  }
0x52: {  	_ =	shalt  }
0x53: {  	_ =	shalt  }
0x54: {  	_ =	shalt  }
0x55: {  	_ =	shalt  }
0x56: {  	_ =	shalt  }
0x57: {  	_ =	shalt  }
0x58: {  	_ =	shalt  }
0x59: {  	_ =	shalt  }
0x5a: {  	_ =	shalt  }
0x5b: {  	_ =	shalt  }
0x5c: {  	_ =	shalt  }
0x5d: {  	_ =	shalt  }
0x5e: {  	_ =	shalt  }
0x5f: {  	_ =	shalt  }
0x60: {  	_ =	shalt  }
0x61: {  	_ =	shalt  }
0x62: {  	_ =	shalt  }
0x63: {  	_ =	shalt  }
0x64: {  	_ =	shalt  }
0x65: {  	_ =	shalt  }
0x66: {  	_ =	shalt  }
0x67: {  	_ =	shalt  }
0x68: {  	_ =	shalt  }
0x69: {  	_ =	shalt  }
0x6a: {  	_ =	shalt  }
0x6b: {  	_ =	shalt  }
0x6c: {  	_ =	shalt  }
0x6d: {  	_ =	shalt  }
0x6e: {  	_ =	shalt  }
0x6f: {  	_ =	shalt  }
0x70: {  	_ =	shalt  }
0x71: {  	_ =	shalt  }
0x72: {  	_ =	shalt  }
0x73: {  	_ =	shalt  }
0x74: {  	_ =	shalt  }
0x75: {  	_ =	shalt  }
0x76: {  	_ =	shalt  }
0x77: {  	_ =	shalt  }
0x78: {  	_ =	shalt  }
0x79: {  	_ =	shalt  }
0x7a: {  	_ =	shalt  }
0x7b: {  	_ =	shalt  }
0x7c: {  	_ =	shalt  }
0x7d: {  	_ =	shalt  }
0x7e: {  	_ =	shalt  }
0x7f: {  	_ =	shalt  }
0x80: {  	_ =	shalt  }
0x81: {  	_ =	shalt  }
0x82: {  	_ =	shalt  }
0x83: {  	_ =	shalt  }
0x84: {  	_ =	shalt  }
0x85: {  	_ =	shalt  }
0x86: {  	_ =	shalt  }
0x87: {  	_ =	shalt  }
.Lfunc_end0:
.L_simem_size_0:
called_computation_lowered:
.L_overlay_start_0:
0x88: {  	s2 =	sld [smem:$0x3FD9]  }
0x89: {  	s3 =	sld [smem:$0x3FFE];
	_ =	sdelay $0x1  }
0x8a: {  	s1 =	srdreg.scid  }
0x8b: {  	s0 =	sand.u32 $0x1, s1  }
0x8c: {  	s17 =	sshll.u32 s0, $0xA;
	s2 =	sadd.s32 s3, s2  }
0x8d: {  	s2 =	sadd.s32 s2, s17  }
0x8e: {  	[smem:$0x3FC6] =	sst s2  }
0x8f: {  	_ = 	snop  }
0x90: {  	s2 =	sld [smem:$0x3FC8]  }
0x91: {  	s18 =	sld [smem:$0x3FD0];
	(tm) =	ssettm $0x1  }
0x92: {  	s4 =	sld [smem:$0x3FFB];
	_ =	sdelay $0x3  }
0x93: {  	_ =	strace s4  }
0x94: {  	s4 =	sld [smem:$0x3FFC];
	_ =	sdelay $0x3  }
0x95: {  	_ =	strace s4  }
0x96: {  	s4 =	sld [smem:$0x3FFD];
	_ =	sdelay $0x3  }
0x97: {  	_ =	strace s4  }
0x98: {  	_ =	strace $0x8FFFFFFF  }
0x99: {  	s19 =	sld [smem:$0x3FDB];
	_ =	sdelay $0x1  }
0x9a: {  	s5 =	simm.s32 $_scs_section_size  }
0x9b: {  	s6 =	simm.s32 $_size__tile_overlayer_lowered;
	s7 =	simm.s32 $_tile_overlayer_lowered  }
0x9c: {  	s22 =	simm.s32 $0x1BFF;
	s21 =	sshll.u32 s7, $0x1;
	s4 =	sadd.s32 s5, s19  }
0x9d: {  	s8 =	simm.s32 $0x0;
	s20 =	sshll.u32 s6, $0x1;
	s6 =	sadd.s32 s21, s4  }
0x9e: {  	[timem:s8], [sflag:s22] =	dma.local [hbm:s6], s20  }
0x9f: {  	_ =	swait.ge [sflag:s22], s20  }
0xa0: {  	s5 =	ssub.s32 $0x0, s20;
	[sflag:s22] =	ssyncset.done $0x0  }
0xa1: {  	[sflag:s22] =	ssyncadd.s32 s5;
	_ =	sdelay $0x1  }
0xa2: {  	s23 =	simm.s32 $0x1B8B  }
0xa3: {  	_ =	swait.ge [sflag:s23], $0x1  }
0xa4: {  	[sflag:s23] =	ssyncset.done $0x0  }
0xa5: {  	s25 =	simm.s32 $0x1B8E;
	s24 =	sld [smem:$0x3FFE];
	[sflag:s23] =	ssyncadd.s32 $0xFFFFFFFF  }
0xa6: {  	s26 =	simm.s32 $execute0_lowered;
	[smem:$0x3FD2] =	sst s25  }
0xa7: {  	s6 =	sshll.u32 s26, $0x1;
	_ =	strace $0x80000046;
	[dreg:$0x1] =	wrdreg $0xFFFFFFFF  }
0xa8: {  	s28 =	simm.s32 $_size_execute0_lowered;
	s4 =	sadd.s32 s4, s6;
	[dreg:$0x0] =	wrdreg $0x0  }
0xa9: {  	s6 =	sshll.u32 s28, $0x1;
	[dreg:$0x2] =	wrdreg s4  }
0xaa: {  	[dreg:$0x3] =	wrdreg s6  }
0xab: {  	[dreg:$0x4] =	wrdreg $0xC0  }
0xac: {  	_ =	task [dreg:s8], $0x5FFFF  }
0xad: {  	[dreg:$0x1] =	wrdreg $0xFFFFFFFF  }
0xae: {  	[dreg:$0x0] =	wrdreg $0x60  }
0xaf: {  	[dreg:$0x2] =	wrdreg s24  }
0xb0: {  	[dreg:$0x3] =	wrdreg s2  }
0xb1: {  	[dreg:$0x4] =	wrdreg s18  }
0xb2: {  	[dreg:$0x5] =	wrdreg $0x9  }
0xb3: {  	_ =	task.clear_ibuf [dreg:s8], $0x6FFFF;
	_ =	strace $0x90000046  }
0xb4: {  	s29 =	simm.s32 $0x9;
	_ =	strace $0x80000048  }
0xb5: {  	_ =	swait.ge [sflag:s29], $0x1  }
0xb6: {  	[sflag:s29] =	ssyncadd.s32 $0xFFFFFFFF  }
0xb7: {  	_ =	strace $0x90000048  }
0xb8: {  	_ =	sfence  }
0xb9: {  	s30 =	sld [smem:$0x0];
	_ =	sdelay $0x2  }
0xba: {  	s31 =	sshll.u32 s1, $0xD;
	s1 =	sshrl.u32 s1, $0x2  }
0xbb: {  	s3 =	sand.u32 $0x4000, s31;
	s1 =	sadd.s32 s1, s30  }
0xbc: {  	s0 =	sor.u32 s3, s0;
	s1 =	sshll.u32 s1, $0x11  }
0xbd: {  	s0 =	sor.u32 s1, s0  }
0xbe: {  	s0 =	sadd.s32 $0x8F2B, s0  }
0xbf: {  	[sflag:s0] =	ssyncadd.remote.s32 $0x1  }
0xc0: {  	_ =	sfence.sel $0xFFFF  }
0xc1: {  	[dreg:$0x0] =	wrdreg $0xFFFFFFFF;
	(pc) =	sbr.abs _section_cstart, $3  }
0xc2: {  	[dreg:$0x1] =	wrdreg $0xFFFFFFFF  }
0xc3: {  	_ =	task.clear_ibuf [dreg:s8], $0x2FFFF;
	_ =	strace $0x9FFFFFFF  }
0xc4: {  	(tm) =	ssettm $0x7FFFFFFF  }
0xc5: {  	_ =	shalt  }
tec
execute0_lowered:
.L_overlay_start_1:
0x0: {  	(tag) =	ssettag $0x1  }
0x1: {  	s0 =	rddreg [dreg:$0x0]  }
0x2: {  	s1 =	srdreg.scid;
	s2 =	rddreg [dreg:$0x1]  }
0x3: {  	s3 =	stileid.u32;
	s8 =	rddreg [dreg:$0x2]  }
0x4: {  	s10 =	simm.s32 $0x3;
	s28 =	simm.s32 $0x8400;
	s29 =	simm.s32 $0x8C00  }
0x5: {  	s30 =	simm.s32 $0x9400;
	s31 =	simm.s32 $0x9C00;
	s11 =	simm.s32 $0xB400  }
0x6: {  	s12 =	simm.s32 $0xBC00;
	s13 =	simm.s32 $0x1;
	s14 =	simm.s32 $0x2  }
0x7: {  	s15 =	simm.s32 $0x0;
	s1 =	sand.u32 $0x1, s1;
	s4 =	sshll.u32 s3, $0xB  }
0x8: {  	s3 =	simm.s32 $0x0;
	s6 =	sadd.s32 $0x200, s2;
	s7 =	sadd.s32 $0x300, s2  }
0x9: {  	s5 =	sshll.u32 s1, $0xA;
	[smem:$0x7FF] =	sst s3;
	s1 =	ssub.s32 $0x2, s1  }
0xa: {  	s9 =	sor.u32 s5, s4;
	_ =	strace $0x80000047;
	s25 =	sshrl.u32 s1, $0x1  }
0xb: {  	s5 =	sadd.s32 $0x100, s2;
	s4 =	sshrl.u32 s9, $0x3;
	s1 =	ssub.s32 s1, s25  }
0xc: {  	v2 =	vlaneseq.u32;
	s26 =	sshll.u32 s9, $0x7;
	s25 =	simm.s32 $0x7400;
	s0 =	sadd.s32 s4, s0  }
0xd: {  	vm0 =	vmmov $0xffff;
	v1 =	vshrl.u32 v2, $0x3;
	s8 =	sadd.s32 s8, s26;
	s9 =	smax.u32 s1, $0x1;
	s26 =	simm.s32 $0x7C00  }
0xe: {  	v0 =	vand.u32 $0x7, v2;
	v2 =	vor.u32 $0x8, v2;
	v1 =	vmul.u32 $0x8, v1;
	s1 =	simm.s32 $0xA400;
	s4 =	sadd.s32 $0x400, s0;
	s0 =	simm.s32 $0xAC00  }
.LBB2_1:
0xf: {  	[tilespmem:s3], [sflag:$0x3] =	stream.linear.gather [hbm4b:s4+s3], $0x400, $0x38;
	[tilespmem:$0x1C400] =	vst v63  }
0x10: {  	_ =	swait.ge [sflag:s10], $0x400  }
0x11: {  	[sflag:s10] =	ssyncset.done $0x0  }
0x12: {  	[sflag:s10] =	ssyncadd.s32 $0xFFFFFC00  }
0x13: {  	v3 =	vld [tilespmem:$0x0];
	_ =	sdelay $0x4  }
0x14: {  	v4 =	vshll.u32 v3, $0x3  }
0x15: {  	v3 =	vand.u32 $0x7, v3;
	v4 =	vand.u32 $0xFFFFFFC0, v4  }
0x16: {  	v3 =	vor.u32 v3, v4  }
0x17: {  	v4 =	vperm.xlane v3, v0;
	_ =	sdelay $0x1  }
0x18: {  	v4 =	vadd.s32 v1, v4;
	_ =	sdelay $0x3  }
0x19: {  	s16 =	simm.s32 $0x400  }
0x1a: {  	[tilespmem:s16], [sflag:$0x1] =	stream.indirect_vreg.gather [hbm4b:s2+s3], $0x80, v4, vm0, $0xb8;
	[tilespmem:$0x1C400] =	vst v63  }
0x1b: {  	s20 =	simm.s32 $0xC00;
	v3 =	vperm.xlane v3, v2  }
0x1c: {  	[tilespmem:s20], [sflag:$0x1] =	stream.indirect_vreg.gather [hbm4b:s5+s3], $0x80, v4, vm0, $0xb8;
	[tilespmem:$0x1C400] =	vst v63  }
0x1d: {  	s21 =	simm.s32 $0x1400;
	v3 =	vadd.s32 v1, v3  }
0x1e: {  	[tilespmem:s21], [sflag:$0x1] =	stream.indirect_vreg.gather [hbm4b:s6+s3], $0x80, v4, vm0, $0xb8;
	[tilespmem:$0x1C400] =	vst v63  }
0x1f: {  	s22 =	simm.s32 $0x1C00  }
0x20: {  	[tilespmem:s22], [sflag:$0x1] =	stream.indirect_vreg.gather [hbm4b:s7+s3], $0x80, v4, vm0, $0xb8;
	[tilespmem:$0x1C400] =	vst v63  }
0x21: {  	s23 =	simm.s32 $0x2400  }
0x22: {  	[tilespmem:s23], [sflag:$0x1] =	stream.indirect_vreg.gather [hbm4b:s2+s3], $0x80, v3, vm0, $0xb8;
	[tilespmem:$0x1C400] =	vst v63  }
0x23: {  	s24 =	simm.s32 $0x2C00  }
0x24: {  	[tilespmem:s24], [sflag:$0x1] =	stream.indirect_vreg.gather [hbm4b:s5+s3], $0x80, v3, vm0, $0xb8;
	[tilespmem:$0x1C400] =	vst v63  }
0x25: {  	s17 =	simm.s32 $0x3400  }
0x26: {  	[tilespmem:s17], [sflag:$0x1] =	stream.indirect_vreg.gather [hbm4b:s6+s3], $0x80, v3, vm0, $0xb8;
	[tilespmem:$0x1C400] =	vst v63  }
0x27: {  	s18 =	simm.s32 $0x3C00  }
0x28: {  	[tilespmem:s18], [sflag:$0x1] =	stream.indirect_vreg.gather [hbm4b:s7+s3], $0x80, v3, vm0, $0xb8;
	[tilespmem:$0x1C400] =	vst v63  }
0x29: {  	v3 =	vld [tilespmem:$0x10];
	_ =	sdelay $0x4  }
0x2a: {  	v62 =	vshll.u32 v3, $0x3  }
0x2b: {  	v3 =	vand.u32 $0x7, v3;
	v4 =	vand.u32 $0xFFFFFFC0, v62  }
0x2c: {  	v3 =	vor.u32 v3, v4  }
0x2d: {  	v4 =	vperm.xlane v3, v0;
	_ =	sdelay $0x1  }
0x2e: {  	v4 =	vadd.s32 v1, v4;
	_ =	sdelay $0x3  }
0x2f: {  	s19 =	simm.s32 $0x4400  }
0x30: {  	[tilespmem:s19], [sflag:$0x1] =	stream.indirect_vreg.gather [hbm4b:s2+s3], $0x80, v4, vm0, $0xb8;
	[tilespmem:$0x1C400] =	vst v63  }
0x31: {  	s20 =	simm.s32 $0x4C00;
	v3 =	vperm.xlane v3, v2  }
0x32: {  	[tilespmem:s20], [sflag:$0x1] =	stream.indirect_vreg.gather [hbm4b:s5+s3], $0x80, v4, vm0, $0xb8;
	[tilespmem:$0x1C400] =	vst v63  }
0x33: {  	s21 =	simm.s32 $0x5400;
	v3 =	vadd.s32 v1, v3  }
0x34: {  	[tilespmem:s21], [sflag:$0x1] =	stream.indirect_vreg.gather [hbm4b:s6+s3], $0x80, v4, vm0, $0xb8;
	[tilespmem:$0x1C400] =	vst v63  }
0x35: {  	s22 =	simm.s32 $0x5C00  }
0x36: {  	[tilespmem:s22], [sflag:$0x1] =	stream.indirect_vreg.gather [hbm4b:s7+s3], $0x80, v4, vm0, $0xb8;
	[tilespmem:$0x1C400] =	vst v63  }
0x37: {  	s23 =	simm.s32 $0x6400  }
0x38: {  	[tilespmem:s23], [sflag:$0x1] =	stream.indirect_vreg.gather [hbm4b:s2+s3], $0x80, v3, vm0, $0xb8;
	[tilespmem:$0x1C400] =	vst v63  }
0x39: {  	s24 =	simm.s32 $0x6C00  }
0x3a: {  	[tilespmem:s24], [sflag:$0x1] =	stream.indirect_vreg.gather [hbm4b:s5+s3], $0x80, v3, vm0, $0xb8;
	[tilespmem:$0x1C400] =	vst v63  }
0x3b: {  	_ = 	snop  }
0x3c: {  	[tilespmem:s25], [sflag:$0x1] =	stream.indirect_vreg.gather [hbm4b:s6+s3], $0x80, v3, vm0, $0xb8;
	[tilespmem:$0x1C400] =	vst v63  }
0x3d: {  	_ = 	snop  }
0x3e: {  	[tilespmem:s26], [sflag:$0x1] =	stream.indirect_vreg.gather [hbm4b:s7+s3], $0x80, v3, vm0, $0xb8;
	[tilespmem:$0x1C400] =	vst v63  }
0x3f: {  	v3 =	vld [tilespmem:$0x20];
	_ =	sdelay $0x4  }
0x40: {  	v63 =	vshll.u32 v3, $0x3  }
0x41: {  	v3 =	vand.u32 $0x7, v3;
	v4 =	vand.u32 $0xFFFFFFC0, v63  }
0x42: {  	v3 =	vor.u32 v3, v4  }
0x43: {  	v4 =	vperm.xlane v3, v0;
	_ =	sdelay $0x1  }
0x44: {  	v4 =	vadd.s32 v1, v4;
	_ =	sdelay $0x4  }
0x45: {  	[tilespmem:s28], [sflag:$0x1] =	stream.indirect_vreg.gather [hbm4b:s2+s3], $0x80, v4, vm0, $0xb8;
	[tilespmem:$0x1C400] =	vst v63  }
0x46: {  	v3 =	vperm.xlane v3, v2  }
0x47: {  	[tilespmem:s29], [sflag:$0x1] =	stream.indirect_vreg.gather [hbm4b:s5+s3], $0x80, v4, vm0, $0xb8;
	[tilespmem:$0x1C400] =	vst v63  }
0x48: {  	v3 =	vadd.s32 v1, v3  }
0x49: {  	[tilespmem:s30], [sflag:$0x1] =	stream.indirect_vreg.gather [hbm4b:s6+s3], $0x80, v4, vm0, $0xb8;
	[tilespmem:$0x1C400] =	vst v63  }
0x4a: {  	_ = 	snop  }
0x4b: {  	[tilespmem:s31], [sflag:$0x1] =	stream.indirect_vreg.gather [hbm4b:s7+s3], $0x80, v4, vm0, $0xb8;
	[tilespmem:$0x1C400] =	vst v63  }
0x4c: {  	_ = 	snop  }
0x4d: {  	[tilespmem:s1], [sflag:$0x1] =	stream.indirect_vreg.gather [hbm4b:s2+s3], $0x80, v3, vm0, $0xb8;
	[tilespmem:$0x1C400] =	vst v63  }
0x4e: {  	_ = 	snop  }
0x4f: {  	[tilespmem:s0], [sflag:$0x1] =	stream.indirect_vreg.gather [hbm4b:s5+s3], $0x80, v3, vm0, $0xb8;
	[tilespmem:$0x1C400] =	vst v63  }
0x50: {  	_ = 	snop  }
0x51: {  	[tilespmem:s11], [sflag:$0x1] =	stream.indirect_vreg.gather [hbm4b:s6+s3], $0x80, v3, vm0, $0xb8;
	[tilespmem:$0x1C400] =	vst v63  }
0x52: {  	s16 =	simm.s32 $0x0;
	s17 =	simm.s32 $0x0  }
0x53: {  	[tilespmem:s12], [sflag:$0x1] =	stream.indirect_vreg.gather [hbm4b:s7+s3], $0x80, v3, vm0, $0xb8;
	[tilespmem:$0x1C400] =	vst v63  }
.LBB2_2:
0x54: {  	s18 =	smul.u32 $0x25, s17;
	_ =	sdelay $0x1  }
0x55: {  	s18 =	sshrl.u32 s18, $0x8  }
0x56: {  	s19 =	ssub.s32 s17, s18  }
0x57: {  	s20 =	smulhi.u32 $0x24924925, s17;
	s19 =	sand.u32 $0xFE, s19  }
0x58: {  	s19 =	sshrl.u32 s19, $0x1  }
0x59: {  	s21 =	ssub.s32 s17, s20;
	s18 =	sadd.s32 s18, s19  }
0x5a: {  	s24 =	sshrl.u32 s21, $0x1;
	s18 =	sand.u32 $0xFC, s18  }
0x5b: {  	s19 =	sadd.s32 s20, s24;
	s18 =	sshrl.u32 s18, $0x2  }
0x5c: {  	_ =	swait.ge [sflag:s13], $0x4000;
	s19 =	sshrl.u32 s19, $0x2;
	s18 =	smul.u32 $0x7, s18  }
0x5d: {  	[sflag:s13] =	ssyncset.done $0x0;
	s19 =	smul.u32 $0x1C000, s19  }
0x5e: {  	[sflag:s13] =	ssyncadd.s32 $0xFFFFC000;
	s21 =	simm.s32 $0x0;
	s18 =	ssub.s32 s17, s18  }
0x5f: {  	s20 =	simm.s32 $0x0;
	s19 =	ssub.s32 s16, s19;
	s18 =	sand.u32 $0xFF, s18  }
.LBB2_3:
0x60: {  	s22 =	sand.u32 $0x1E000, s19;
	s23 =	sand.u32 $0x380, s21  }
0x61: {  	s22 =	sor.u32 s23, s22  }
0x62: {  	v3 =	vld [tilespmem:s22+$0x400]  }
0x63: {  	v4 =	vld [tilespmem:s22+$0x410]  }
0x64: {  	v6 =	vld [tilespmem:s22+$0x430]  }
0x65: {  	v8 =	vld [tilespmem:s22+$0x460]  }
0x66: {  	v5 =	vld [tilespmem:s22+$0x420]  }
0x67: {  	v43 =	vld [tilespmem:s22+$0x800];
	v3 =	vmul.f32 $3.200000000e+01, v3  }
0x68: {  	v7 =	vld [tilespmem:s22+$0x450];
	v4 =	vmul.f32 $3.200000000e+01, v4  }
0x69: {  	v46 =	vld [tilespmem:s22+$0x820];
	v44 =	vmul.f32 $3.200000000e+01, v6;
	[tilespmem:s22+$0x400] =	vst v3  }
0x6a: {  	v9 =	vld [tilespmem:s22+$0x470];
	v47 =	vmul.f32 $3.200000000e+01, v8;
	[tilespmem:s22+$0x410] =	vst v4  }
0x6b: {  	v49 =	vld [tilespmem:s22+$0x850];
	v3 =	vmul.f32 $3.200000000e+01, v5;
	[tilespmem:s22+$0x430] =	vst v44  }
0x6c: {  	v45 =	vld [tilespmem:s22+$0x810];
	v50 =	vmul.f32 $3.200000000e+01, v43;
	[tilespmem:s22+$0x460] =	vst v47  }
0x6d: {  	v52 =	vld [tilespmem:s22+$0x870];
	[tilespmem:s22+$0x420] =	vst v3;
	v3 =	vmul.f32 $3.200000000e+01, v7  }
0x6e: {  	v48 =	vld [tilespmem:s22+$0x830];
	v53 =	vmul.f32 $3.200000000e+01, v46;
	[tilespmem:s22+$0x800] =	vst v50  }
0x6f: {  	v55 =	vld [tilespmem:s22+$0xC10];
	[tilespmem:s22+$0x450] =	vst v3;
	v3 =	vmul.f32 $3.200000000e+01, v9  }
0x70: {  	v51 =	vld [tilespmem:s22+$0x860];
	v56 =	vmul.f32 $3.200000000e+01, v49;
	[tilespmem:s22+$0x820] =	vst v53  }
0x71: {  	v58 =	vld [tilespmem:s22+$0xC30];
	[tilespmem:s22+$0x470] =	vst v3;
	v3 =	vmul.f32 $3.200000000e+01, v45  }
0x72: {  	v54 =	vld [tilespmem:s22+$0xC00];
	v59 =	vmul.f32 $3.200000000e+01, v52;
	[tilespmem:s22+$0x850] =	vst v56  }
0x73: {  	v61 =	vld [tilespmem:s22+$0xC60];
	[tilespmem:s22+$0x810] =	vst v3;
	v3 =	vmul.f32 $3.200000000e+01, v48  }
0x74: {  	v57 =	vld [tilespmem:s22+$0xC20];
	v62 =	vmul.f32 $3.200000000e+01, v55;
	[tilespmem:s22+$0x870] =	vst v59  }
0x75: {  	v12 =	vld [tilespmem:s22+$0x1000];
	[tilespmem:s22+$0x830] =	vst v3;
	v3 =	vmul.f32 $3.200000000e+01, v51  }
0x76: {  	v60 =	vld [tilespmem:s22+$0xC50];
	v13 =	vmul.f32 $3.200000000e+01, v58;
	[tilespmem:s22+$0xC10] =	vst v62  }
0x77: {  	v15 =	vld [tilespmem:s22+$0x1020];
	[tilespmem:s22+$0x860] =	vst v3;
	v3 =	vmul.f32 $3.200000000e+01, v54  }
0x78: {  	v63 =	vld [tilespmem:s22+$0xC70];
	v16 =	vmul.f32 $3.200000000e+01, v61;
	[tilespmem:s22+$0xC30] =	vst v13  }
0x79: {  	v18 =	vld [tilespmem:s22+$0x1050];
	[tilespmem:s22+$0xC00] =	vst v3;
	v3 =	vmul.f32 $3.200000000e+01, v57  }
0x7a: {  	v14 =	vld [tilespmem:s22+$0x1010];
	v19 =	vmul.f32 $3.200000000e+01, v12;
	[tilespmem:s22+$0xC60] =	vst v16  }
0x7b: {  	v21 =	vld [tilespmem:s22+$0x1070];
	[tilespmem:s22+$0xC20] =	vst v3;
	v3 =	vmul.f32 $3.200000000e+01, v60  }
0x7c: {  	v17 =	vld [tilespmem:s22+$0x1030];
	v22 =	vmul.f32 $3.200000000e+01, v15;
	[tilespmem:s22+$0x1000] =	vst v19  }
0x7d: {  	v24 =	vld [tilespmem:s22+$0x1410];
	[tilespmem:s22+$0xC50] =	vst v3;
	v3 =	vmul.f32 $3.200000000e+01, v63  }
0x7e: {  	v20 =	vld [tilespmem:s22+$0x1060];
	v25 =	vmul.f32 $3.200000000e+01, v18;
	[tilespmem:s22+$0x1020] =	vst v22  }
0x7f: {  	v27 =	vld [tilespmem:s22+$0x1430];
	[tilespmem:s22+$0xC70] =	vst v3;
	v3 =	vmul.f32 $3.200000000e+01, v14  }
0x80: {  	v23 =	vld [tilespmem:s22+$0x1400];
	v28 =	vmul.f32 $3.200000000e+01, v21;
	[tilespmem:s22+$0x1050] =	vst v25  }
0x81: {  	v30 =	vld [tilespmem:s22+$0x1460];
	[tilespmem:s22+$0x1010] =	vst v3;
	v3 =	vmul.f32 $3.200000000e+01, v17  }
0x82: {  	v26 =	vld [tilespmem:s22+$0x1420];
	v31 =	vmul.f32 $3.200000000e+01, v24;
	[tilespmem:s22+$0x1070] =	vst v28  }
0x83: {  	v33 =	vld [tilespmem:s22+$0x1800];
	[tilespmem:s22+$0x1030] =	vst v3;
	v3 =	vmul.f32 $3.200000000e+01, v20  }
0x84: {  	v29 =	vld [tilespmem:s22+$0x1450];
	v34 =	vmul.f32 $3.200000000e+01, v27;
	[tilespmem:s22+$0x1410] =	vst v31  }
0x85: {  	v36 =	vld [tilespmem:s22+$0x1820];
	[tilespmem:s22+$0x1060] =	vst v3;
	v3 =	vmul.f32 $3.200000000e+01, v23  }
0x86: {  	v32 =	vld [tilespmem:s22+$0x1470];
	v37 =	vmul.f32 $3.200000000e+01, v30;
	[tilespmem:s22+$0x1430] =	vst v34  }
0x87: {  	v39 =	vld [tilespmem:s22+$0x1850];
	[tilespmem:s22+$0x1400] =	vst v3;
	v3 =	vmul.f32 $3.200000000e+01, v26  }
0x88: {  	v35 =	vld [tilespmem:s22+$0x1810];
	v40 =	vmul.f32 $3.200000000e+01, v33;
	[tilespmem:s22+$0x1460] =	vst v37  }
0x89: {  	v42 =	vld [tilespmem:s22+$0x1870];
	[tilespmem:s22+$0x1420] =	vst v3;
	v3 =	vmul.f32 $3.200000000e+01, v29  }
0x8a: {  	v38 =	vld [tilespmem:s22+$0x1830];
	v43 =	vmul.f32 $3.200000000e+01, v36;
	[tilespmem:s22+$0x1800] =	vst v40  }
0x8b: {  	v47 =	vld [tilespmem:s22+$0x1C20];
	[tilespmem:s22+$0x1450] =	vst v3;
	v3 =	vmul.f32 $3.200000000e+01, v32  }
0x8c: {  	v41 =	vld [tilespmem:s22+$0x1860];
	v46 =	vmul.f32 $3.200000000e+01, v39;
	[tilespmem:s22+$0x1820] =	vst v43  }
0x8d: {  	v50 =	vld [tilespmem:s22+$0x1C50];
	[tilespmem:s22+$0x1470] =	vst v3;
	v3 =	vmul.f32 $3.200000000e+01, v35  }
0x8e: {  	v49 =	vmul.f32 $3.200000000e+01, v42;
	v44 =	vld [tilespmem:s22+$0x1C00];
	[tilespmem:s22+$0x1850] =	vst v46  }
0x8f: {  	v53 =	vld [tilespmem:s22+$0x1C70];
	[tilespmem:s22+$0x1810] =	vst v3;
	v3 =	vmul.f32 $3.200000000e+01, v38  }
0x90: {  	[tilespmem:s22+$0x1870] =	vst v49;
	v7 =	vmul.f32 $3.200000000e+01, v47;
	v45 =	vld [tilespmem:s22+$0x1C10]  }
0x91: {  	v48 =	vld [tilespmem:s22+$0x1C30];
	[tilespmem:s22+$0x1830] =	vst v3;
	v3 =	vmul.f32 $3.200000000e+01, v41  }
0x92: {  	v9 =	vmul.f32 $3.200000000e+01, v50;
	[tilespmem:s22+$0x1C20] =	vst v7;
	v51 =	vld [tilespmem:s22+$0x1C60]  }
0x93: {  	[tilespmem:s22+$0x1860] =	vst v3;
	v3 =	vmul.f32 $3.200000000e+01, v44  }
0x94: {  	v58 =	vld [tilespmem:s22+$0x1840];
	v6 =	vmul.f32 $3.200000000e+01, v53;
	[tilespmem:s22+$0x1C50] =	vst v9  }
0x95: {  	v52 =	vmul.f32 $3.200000000e+01, v45;
	[tilespmem:s22+$0x1C00] =	vst v3;
	v3 =	vld [tilespmem:s22+$0x440]  }
0x96: {  	s24 =	sand.u32 $0x7, s20;
	v56 =	vld [tilespmem:s22+$0x1040];
	[tilespmem:s22+$0x1C70] =	vst v6;
	v8 =	vmul.f32 $3.200000000e+01, v48  }
0x97: {  	s23 =	sshll.u32 s24, $0x7;
	v55 =	vld [tilespmem:s22+$0xC40];
	[tilespmem:s22+$0x1C10] =	vst v52;
	v5 =	vmul.f32 $3.200000000e+01, v51  }
0x98: {  	s23 =	sadd.s32 s23, s19;
	v54 =	vld [tilespmem:s22+$0x840];
	[tilespmem:s22+$0x1C30] =	vst v8  }
0x99: {  	s24 =	sor.u32 $0x1C00, s23;
	v62 =	vmul.f32 $3.200000000e+01, v58;
	v57 =	vld [tilespmem:s22+$0x1440];
	[tilespmem:s22+$0x1C60] =	vst v5  }
0x9a: {  	v60 =	vld [tilespmem:s24+$0x400];
	v3 =	vmul.f32 $3.200000000e+01, v3  }
0x9b: {  	v59 =	vld [tilespmem:s22+$0x1C40];
	v61 =	vmul.f32 $3.200000000e+01, v56;
	[tilespmem:s22+$0x1840] =	vst v62  }
0x9c: {  	[tilespmem:s22+$0x440] =	vst v3;
	v3 =	vmul.f32 $3.200000000e+01, v55  }
0x9d: {  	[tilespmem:s22+$0x1040] =	vst v61;
	v4 =	vmul.f32 $3.200000000e+01, v54  }
0x9e: {  	[tilespmem:s22+$0xC40] =	vst v3;
	v3 =	vmul.f32 $3.200000000e+01, v57  }
0x9f: {  	[tilespmem:s22+$0x840] =	vst v4;
	v63 =	vmul.f32 $3.200000000e+01, v60  }
0xa0: {  	[tilespmem:s22+$0x1440] =	vst v3;
	v3 =	vmul.f32 $3.200000000e+01, v59  }
0xa1: {  	[tilespmem:s24+$0x400] =	vst v63  }
0xa2: {  	s24 =	sor.u32 $0x1C10, s23;
	[tilespmem:s22+$0x1C40] =	vst v3  }
0xa3: {  	v3 =	vld [tilespmem:s24+$0x400];
	_ =	sdelay $0x4  }
0xa4: {  	v3 =	vmul.f32 $3.200000000e+01, v3;
	_ =	sdelay $0x1  }
0xa5: {  	[tilespmem:s24+$0x400] =	vst v3;
	s24 =	sor.u32 $0x1C20, s23  }
0xa6: {  	v3 =	vld [tilespmem:s24+$0x400];
	_ =	sdelay $0x4  }
0xa7: {  	v3 =	vmul.f32 $3.200000000e+01, v3;
	_ =	sdelay $0x1  }
0xa8: {  	[tilespmem:s24+$0x400] =	vst v3;
	s24 =	sor.u32 $0x1C30, s23  }
0xa9: {  	v3 =	vld [tilespmem:s24+$0x400];
	_ =	sdelay $0x4  }
0xaa: {  	v3 =	vmul.f32 $3.200000000e+01, v3;
	_ =	sdelay $0x1  }
0xab: {  	[tilespmem:s24+$0x400] =	vst v3;
	s24 =	sor.u32 $0x1C40, s23  }
0xac: {  	v3 =	vld [tilespmem:s24+$0x400];
	_ =	sdelay $0x4  }
0xad: {  	v3 =	vmul.f32 $3.200000000e+01, v3;
	_ =	sdelay $0x1  }
0xae: {  	[tilespmem:s24+$0x400] =	vst v3;
	s24 =	sor.u32 $0x1C50, s23  }
0xaf: {  	v3 =	vld [tilespmem:s24+$0x400];
	_ =	sdelay $0x4  }
0xb0: {  	v3 =	vmul.f32 $3.200000000e+01, v3;
	_ =	sdelay $0x1  }
0xb1: {  	[tilespmem:s24+$0x400] =	vst v3;
	s24 =	sor.u32 $0x1C60, s23  }
0xb2: {  	v3 =	vld [tilespmem:s24+$0x400];
	_ =	sdelay $0x4  }
0xb3: {  	v3 =	vmul.f32 $3.200000000e+01, v3;
	_ =	sdelay $0x1  }
0xb4: {  	[tilespmem:s24+$0x400] =	vst v3;
	s24 =	sor.u32 $0x1C70, s23  }
0xb5: {  	v3 =	vld [tilespmem:s24+$0x400];
	_ =	sdelay $0x1  }
0xb6: {  	p0 =	sne.s32 s21, $0x780  }
.Ltmp0:
0xb7: {  	_ = 	snop;
	(pc) =	sbr.rel @p0 .LBB2_3-.Ltmp0, $3  }
0xb8: {  	_ = 	snop  }
0xb9: {  	v3 =	vmul.f32 $3.200000000e+01, v3;
	_ =	sdelay $0x1  }
0xba: {  	s20 =	sadd.s32 $0x1, s20;
	s21 =	sadd.s32 $0x80, s21;
	s19 =	sadd.s32 $0x400, s19;
	[tilespmem:s24+$0x400] =	vst v3  }
0xbb: {  	s18 =	sshll.u32 s18, $0xE;
	s19 =	sshll.u32 s17, $0xB  }
0xbc: {  	p0 =	slt.u32 s17, $0x4;
	s18 =	sor.u32 $0x400, s18;
	s19 =	sadd.s32 s19, s8  }
0xbd: {  	[hbm4b:s19+s3] =	stream.linear.scatter [tilespmem:s18], [sflag:$0x2], $0x4000, $0x38;
	[tilespmem:$0x1C400] =	vst v63  }
0xbe: {  	s18 =	simm.s32 @!p0 $0x2  }
0xbf: {  	p1 =	sgt.u32 @!p0 s17, $0x3C;
	_ =	swait.ge @!p0 [sflag:s18], $0x4000  }
0xc0: {  	p1 =	por p0, !p1;
	[sflag:s18] =	ssyncset.done @!p0 $0x0  }
0xc1: {  	[sflag:s18] =	ssyncadd.s32 @!p0 $0xFFFFC000;
	s18 =	sadd.s32 @p1 $0x3, s17  }
0xc2: {  	s19 =	sshll.u32 @p1 s18, $0x4  }
0xc3: {  	s19 =	sand.u32 @p1 $0x3FFFFFF0, s19  }
0xc4: {  	s20 =	smul.u32 @p1 $0x25, s18;
	v3 =	vld @p1 [tilespmem:s19+$0x0];
	_ =	sdelay $0x1  }
0xc5: {  	s19 =	sshrl.u32 @p1 s20, $0x8  }
0xc6: {  	s20 =	ssub.s32 @p1 s18, s19  }
0xc7: {  	s20 =	sand.u32 @p1 $0xFE, s20  }
0xc8: {  	s20 =	sshrl.u32 @p1 s20, $0x1;
	v4 =	vshll.u32 @p1 v3, $0x3  }
0xc9: {  	s19 =	sadd.s32 @p1 s19, s20;
	v3 =	vand.u32 @p1 $0x7, v3;
	v4 =	vand.u32 @p1 $0xFFFFFFC0, v4  }
0xca: {  	s19 =	sand.u32 @p1 $0xFC, s19;
	v3 =	vor.u32 @p1 v3, v4  }
0xcb: {  	s19 =	sshrl.u32 @p1 s19, $0x2;
	v4 =	vperm.xlane @p1 v3, v0  }
0xcc: {  	s19 =	smul.u32 @p1 $0x7, s19  }
0xcd: {  	v4 =	vadd.s32 @p1 v1, v4  }
0xce: {  	s18 =	ssub.s32 @p1 s18, s19  }
0xcf: {  	s18 =	sand.u32 @p1 $0xFF, s18  }
0xd0: {  	s18 =	sshll.u32 @p1 s18, $0xE  }
0xd1: {  	s19 =	sor.u32 @p1 $0x400, s18  }
0xd2: {  	[tilespmem:s19], [sflag:$0x1] =	stream.indirect_vreg.gather @p1 [hbm4b:s2+s3], $0x80, v4, vm0, $0xb8;
	[tilespmem:$0x1C400] =	vst v63  }
0xd3: {  	v3 =	vperm.xlane @p1 v3, v2;
	s19 =	sor.u32 @p1 $0xC00, s18  }
0xd4: {  	[tilespmem:s19], [sflag:$0x1] =	stream.indirect_vreg.gather @p1 [hbm4b:s5+s3], $0x80, v4, vm0, $0xb8;
	[tilespmem:$0x1C400] =	vst v63  }
0xd5: {  	v3 =	vadd.s32 @p1 v1, v3;
	s19 =	sor.u32 @p1 $0x1400, s18  }
0xd6: {  	[tilespmem:s19], [sflag:$0x1] =	stream.indirect_vreg.gather @p1 [hbm4b:s6+s3], $0x80, v4, vm0, $0xb8;
	[tilespmem:$0x1C400] =	vst v63  }
0xd7: {  	s19 =	sor.u32 @p1 $0x1C00, s18  }
0xd8: {  	[tilespmem:s19], [sflag:$0x1] =	stream.indirect_vreg.gather @p1 [hbm4b:s7+s3], $0x80, v4, vm0, $0xb8;
	[tilespmem:$0x1C400] =	vst v63  }
0xd9: {  	s17 =	sadd.s32 $0x1, s17;
	s19 =	sor.u32 @p1 $0x2400, s18  }
0xda: {  	[tilespmem:s19], [sflag:$0x1] =	stream.indirect_vreg.gather @p1 [hbm4b:s2+s3], $0x80, v3, vm0, $0xb8;
	[tilespmem:$0x1C400] =	vst v63  }
0xdb: {  	p0 =	sne.s32 s17, $0x40;
	s19 =	sor.u32 @p1 $0x2C00, s18  }
0xdc: {  	[tilespmem:s19], [sflag:$0x1] =	stream.indirect_vreg.gather @p1 [hbm4b:s5+s3], $0x80, v3, vm0, $0xb8;
	[tilespmem:$0x1C400] =	vst v63  }
.Ltmp1:
0xdd: {  	_ = 	snop;
	(pc) =	sbr.rel @p0 .LBB2_2-.Ltmp1, $4  }
0xde: {  	s19 =	sor.u32 @p1 $0x3400, s18  }
0xdf: {  	[tilespmem:s19], [sflag:$0x1] =	stream.indirect_vreg.gather @p1 [hbm4b:s6+s3], $0x80, v3, vm0, $0xb8;
	[tilespmem:$0x1C400] =	vst v63  }
0xe0: {  	s16 =	sadd.s32 $0x4000, s16;
	s18 =	sor.u32 @p1 $0x3C00, s18  }
0xe1: {  	[tilespmem:s18], [sflag:$0x1] =	stream.indirect_vreg.gather @p1 [hbm4b:s7+s3], $0x80, v3, vm0, $0xb8;
	[tilespmem:$0x1C400] =	vst v63  }
0xe2: {  	_ =	swait.ge [sflag:s14], $0x4000  }
0xe3: {  	[sflag:s14] =	ssyncset.done $0x0  }
0xe4: {  	[sflag:s14] =	ssyncadd.s32 $0xFFFFC000  }
0xe5: {  	_ =	swait.ge [sflag:s14], $0x4000  }
0xe6: {  	[sflag:s14] =	ssyncset.done $0x0  }
0xe7: {  	s15 =	sadd.s32 $0x1, s15;
	[sflag:s14] =	ssyncadd.s32 $0xFFFFC000  }
0xe8: {  	p0 =	sne.s32 s15, s9;
	_ =	swait.ge [sflag:s14], $0x4000  }
.Ltmp2:
0xe9: {  	[sflag:s14] =	ssyncset.done $0x0;
	(pc) =	sbr.rel @p0 .LBB2_1-.Ltmp2, $4  }
0xea: {  	[sflag:s14] =	ssyncadd.s32 $0xFFFFC000  }
0xeb: {  	_ =	swait.ge [sflag:s14], $0x4000  }
0xec: {  	[sflag:s14] =	ssyncset.done $0x0  }
0xed: {  	[sflag:s14] =	ssyncadd.s32 $0xFFFFC000  }
0xee: {  	_ =	sfence.sel $0x180000  }
0xef: {  	[bflag:$0x0] =	sbarrier.arrive $0xFFFF  }
0xf0: {  	_ =	strace $0x90000047  }
0xf1: {  	s0 =	stileid.u32;
	[bflag:$0x2] =	sbarrier.arrive $0xFFFF  }
0xf2: {  	p0 =	sne.s32 s0, $0x0;
	s0 =	rddreg [dreg:$0x3]  }
0xf3: {  	s0 =	sadd.s32 @!p0 $0x100000, s0  }
0xf4: {  	[sflag:s0] =	ssyncadd.tile.s32 @!p0 $0x1;
	_ =	shalt  }
.Lfunc_end2:
_tile_overlayer_lowered:
.L_overlay_start_2:
0xf5: {  	(tag) =	ssettag $0x2  }
0xf6: {  	s0 =	rddreg [dreg:$0x0];
	s2 =	stileid.u32  }
0xf7: {  	s1 =	rddreg [dreg:$0x1];
	p0 =	sne.s32 s2, $0x0  }
0xf8: {  	s3 =	rddreg [dreg:$0x2];
	[bflag:$0x3] =	sbarrier.arrive $0xFFFF;
	s2 =	simm.s32 @!p0 $0x1C03  }
0xf9: {  	[timem:s3], [sflag:s2] =	dma.local @!p0 [hbm:s0], s1  }
0xfa: {  	s0 =	simm.s32 @!p0 $0x3  }
0xfb: {  	_ =	swait.ge @!p0 [sflag:s0], s1  }
0xfc: {  	s1 =	ssub.s32 @!p0 $0x0, s1;
	[sflag:s0] =	ssyncset.done @!p0 $0x0  }
0xfd: {  	[sflag:s0] =	ssyncadd.s32 @!p0 s1  }
0xfe: {  	[bflag:$0x3] =	sbarrier.arrive $0xFFFF  }
0xff: {  	_ =	shalt  }

</sc_bundles>
